<compile_context>
chip_gen: v7x
topology: tpu7x:2x2x1
jax: 0.10.2.dev20260603
libtpu: 0.0.44.dev20260713+nightly
codegen_flags: <defaults>
</compile_context>

<pallas_src>
import jax
import jax.numpy as jnp
from jax import lax
from jax.experimental import pallas as pl
from jax.experimental.pallas import tpu as pltpu
from jax.experimental.pallas import tpu_sc as plsc

_B = 16384
_D = 200
_NC = 2
_NS = 16
_NW = _NC * _NS
_BPW = _B // _NW
_K = 4
_M = _BPW // _K


def _gather_half(table_hbm, idx_v, rows_v, sem):
    cps = [pltpu.async_copy(table_hbm.at[idx_v.at[pl.ds(j * _M, _M)]],
                            rows_v.at[pl.ds(j * _M, _M)], sem)
           for j in range(_K)]
    for c in cps:
        c.wait()


def _gather_body(entA, entB, relA, relB, e1_idx_hbm, rel_idx_hbm, out_hbm,
                 idx_v, rows_v, sem):
    wid = lax.axis_index("s") * _NC + lax.axis_index("c")
    base = wid * _BPW

    pltpu.sync_copy(e1_idx_hbm.at[pl.ds(base, _BPW)], idx_v)
    for col, half in ((0, entA), (128, entB)):
        _gather_half(half, idx_v, rows_v, sem)
        pltpu.sync_copy(rows_v, out_hbm.at[pl.ds(base, _BPW), pl.ds(col, 128)])

    pltpu.sync_copy(rel_idx_hbm.at[pl.ds(base, _BPW)], idx_v)
    for col, half in ((256, relA), (384, relB)):
        _gather_half(half, idx_v, rows_v, sem)
        pltpu.sync_copy(rows_v, out_hbm.at[pl.ds(base, _BPW), pl.ds(col, 128)])


def _gather(entA, entB, relA, relB, e1_idx, rel_idx):
    mesh = plsc.VectorSubcoreMesh(core_axis_name="c", subcore_axis_name="s")
    f = pl.kernel(
        _gather_body,
        mesh=mesh,
        out_type=jax.ShapeDtypeStruct((_B, 512), jnp.float32),
        scratch_types=[
            pltpu.VMEM((_BPW,), jnp.int32),
            pltpu.VMEM((_BPW, 128), jnp.float32),
            pltpu.SemaphoreType.DMA,
        ],
    )
    return f(entA, entB, relA, relB, e1_idx, rel_idx)


def kernel(ent_table, rel_table, e1_idx, rel_idx):
    entA = ent_table[:, :128]
    entB = jnp.pad(ent_table[:, 128:], ((0, 0), (0, 56)))
    relp = jnp.pad(rel_table, ((0, 12), (0, 0)))
    relA = relp[:, :128]
    relB = jnp.pad(relp[:, 128:], ((0, 0), (0, 56)))
    out512 = _gather(entA, entB, relA, relB, e1_idx, rel_idx)
    out = jnp.concatenate([out512[:, :200], out512[:, 256:456]], axis=1)
    return out.reshape(_B, 1, 20, 20)

# --- scband reference (transcript-rebuilt; emitter-appended) ---
"""Pipeline reference for scband-base-model-31585189494897 (READ-ONLY COPY).

The authoritative reference and input builder live on the scoring server;
editing this copy changes nothing except your own understanding.
"""

import jax, jax.numpy as jnp
import numpy as np

NUM_ENTS = 100000
NUM_RELS = 500
EMBED_DIM = 200
BATCH = 16384


def setup_inputs(seed: int = 0) -> dict:
    key = jax.random.key(seed)
    k1, k2, k3, k4 = jax.random.split(key, 4)
    # xavier_normal for embedding weight [V, 200]: std = sqrt(2/(V+200)); use per-table std
    ent_std = float(np.sqrt(2.0 / (NUM_ENTS + EMBED_DIM)))
    rel_std = float(np.sqrt(2.0 / (NUM_RELS + EMBED_DIM)))
    ent_table = jax.random.normal(k1, (NUM_ENTS, EMBED_DIM), dtype=jnp.float32) * ent_std
    rel_table = jax.random.normal(k2, (NUM_RELS, EMBED_DIM), dtype=jnp.float32) * rel_std
    e1_idx = jax.random.randint(k3, (BATCH,), 0, NUM_ENTS, dtype=jnp.int32)
    rel_idx = jax.random.randint(k4, (BATCH,), 0, NUM_RELS, dtype=jnp.int32)
    return {"ent_table": ent_table, "rel_table": rel_table, "e1_idx": e1_idx, "rel_idx": rel_idx}


def reference(ent_table, rel_table, e1_idx, rel_idx):
    # Embedding lookups (SparseCore gather)
    e1_embed = jnp.take(ent_table, e1_idx, axis=0)   # [B, 200]
    rel_embed = jnp.take(rel_table, rel_idx, axis=0)  # [B, 200]
    # concat(form='plain'): reshape to [B,1,10,20] and stack along height -> [B,1,20,20]
    e1r = e1_embed.reshape(-1, 1, 10, 20)
    rlr = rel_embed.reshape(-1, 1, 10, 20)
    stack_inp = jnp.concatenate([e1r, rlr], axis=2)
    return stack_inp

if __name__ == "__main__":
    import jax
    _d = setup_inputs()
    print(jax.jit(kernel)(*tuple(_d.values())))

</pallas_src>

<mosaic_0001>
#map = affine_map<(d0, d1) -> (0, 0)>
#map1 = affine_map<(d0, d1) -> (0)>
module attributes {stable_mosaic.version = 14 : i64} {
  func.func @_gather_body(%arg0: i32, %arg1: i32, %arg2: memref<100000x128xf32, #tpu.memory_space<hbm>>, %arg3: memref<100000x128xf32, #tpu.memory_space<hbm>>, %arg4: memref<512x128xf32, #tpu.memory_space<hbm>>, %arg5: memref<512x128xf32, #tpu.memory_space<hbm>>, %arg6: memref<16384xi32, #tpu.memory_space<hbm>>, %arg7: memref<16384xi32, #tpu.memory_space<hbm>>, %arg8: memref<16384x512xf32, #tpu.memory_space<hbm>>, %arg9: memref<512xi32, #tpu.memory_space<vmem>>, %arg10: memref<512x128xf32, #tpu.memory_space<vmem>>, %arg11: memref<!tpu.dma_semaphore, #tpu.memory_space<semaphore_mem>>) attributes {dimension_semantics = [#tpu.dimension_semantics<core_parallel>, #tpu.dimension_semantics<subcore_parallel>], iteration_bounds = array<i64: 2, 16>, scalar_prefetch = 0 : i64, scratch_operands = 3 : i64, tpu.core_type = #tpu.core_type<sc_vector_subcore>, window_params = [{transform_indices = #map}, {transform_indices = #map}, {transform_indices = #map}, {transform_indices = #map}, {transform_indices = #map1}, {transform_indices = #map1}, {transform_indices = #map}]} {
    %mul3A = arith.constant 2 : i32
    %mul3A_0 = arith.muli %arg1, %mul3A : i32
    %add3A = arith.addi %mul3A_0, %arg0 : i32
    %mul3A_1 = arith.constant 512 : i32
    %mul3A_2 = arith.muli %add3A, %mul3A_1 : i32
    "tpu.region"() ({
      %run_scoped3A = tpu.sem_alloc : memref<!tpu.dma_semaphore, #tpu.memory_space<semaphore_mem>>
      %dma_start3A_257 = tpu.memref_slice %arg6[%mul3A_2] : memref<16384xi32, #tpu.memory_space<hbm>> -> memref<512xi32, #tpu.memory_space<hbm>>
      %dma_start3A_258 = tpu.memref_slice %arg6[%mul3A_2] : memref<16384xi32, #tpu.memory_space<hbm>> -> memref<512xi32, #tpu.memory_space<hbm>>
      tpu.enqueue_dma source(%dma_start3A_258 : memref<512xi32, #tpu.memory_space<hbm>>) target(%arg9 : memref<512xi32, #tpu.memory_space<vmem>>) target_semaphore(%run_scoped3A : memref<!tpu.dma_semaphore, #tpu.memory_space<semaphore_mem>>)
      %dma_wait3A_259 = tpu.memref_slice %arg6[%mul3A_2] : memref<16384xi32, #tpu.memory_space<hbm>> -> memref<512xi32, #tpu.memory_space<hbm>>
      %dma_wait3A_260 = tpu.memref_slice %arg6[%mul3A_2] : memref<16384xi32, #tpu.memory_space<hbm>> -> memref<512xi32, #tpu.memory_space<hbm>>
      tpu.wait_dma2 semaphore(%run_scoped3A : memref<!tpu.dma_semaphore, #tpu.memory_space<semaphore_mem>>) src(%dma_wait3A_260 : memref<512xi32, #tpu.memory_space<hbm>>) dst(%arg9 : memref<512xi32, #tpu.memory_space<vmem>>)
      tpu.yield
    }) : () -> ()
    %dma_start3A = arith.constant 0 : i32
    %dma_start3A_3 = arith.constant 0 : i32
    %dma_start3A_4 = tpu.memref_slice %arg10[%dma_start3A, %dma_start3A_3] : memref<512x128xf32, #tpu.memory_space<vmem>> -> memref<128x128xf32, #tpu.memory_space<vmem>>
    %dma_start3A_5 = arith.constant 0 : i32
    %dma_start3A_6 = tpu.memref_slice %arg9[%dma_start3A_5] : memref<512xi32, #tpu.memory_space<vmem>> -> memref<128xi32, #tpu.memory_space<vmem>>
    %dma_start3A_7 = arith.constant 0 : i32
    %dma_start3A_8 = arith.constant 0 : i32
    %dma_start3A_9 = tpu.memref_slice %arg2[%dma_start3A_7, %dma_start3A_8] : memref<100000x128xf32, #tpu.memory_space<hbm>> -> memref<100000x128xf32, #tpu.memory_space<hbm>>
    tpu.enqueue_indirect_dma source(%dma_start3A_9 : memref<100000x128xf32, #tpu.memory_space<hbm>>) target(%dma_start3A_4 : memref<128x128xf32, #tpu.memory_space<vmem>>) offsets(%dma_start3A_6 : memref<128xi32, #tpu.memory_space<vmem>>) semaphore(%arg11 : memref<!tpu.dma_semaphore, #tpu.memory_space<semaphore_mem>>)
    %dma_start3A_10 = arith.constant 128 : i32
    %dma_start3A_11 = arith.constant 0 : i32
    %dma_start3A_12 = tpu.memref_slice %arg10[%dma_start3A_10, %dma_start3A_11] : memref<512x128xf32, #tpu.memory_space<vmem>> -> memref<128x128xf32, #tpu.memory_space<vmem>>
    %dma_start3A_13 = arith.constant 128 : i32
    %dma_start3A_14 = tpu.memref_slice %arg9[%dma_start3A_13] : memref<512xi32, #tpu.memory_space<vmem>> -> memref<128xi32, #tpu.memory_space<vmem>>
    %dma_start3A_15 = arith.constant 0 : i32
    %dma_start3A_16 = arith.constant 0 : i32
    %dma_start3A_17 = tpu.memref_slice %arg2[%dma_start3A_15, %dma_start3A_16] : memref<100000x128xf32, #tpu.memory_space<hbm>> -> memref<100000x128xf32, #tpu.memory_space<hbm>>
    tpu.enqueue_indirect_dma source(%dma_start3A_17 : memref<100000x128xf32, #tpu.memory_space<hbm>>) target(%dma_start3A_12 : memref<128x128xf32, #tpu.memory_space<vmem>>) offsets(%dma_start3A_14 : memref<128xi32, #tpu.memory_space<vmem>>) semaphore(%arg11 : memref<!tpu.dma_semaphore, #tpu.memory_space<semaphore_mem>>)
    %dma_start3A_18 = arith.constant 256 : i32
    %dma_start3A_19 = arith.constant 0 : i32
    %dma_start3A_20 = tpu.memref_slice %arg10[%dma_start3A_18, %dma_start3A_19] : memref<512x128xf32, #tpu.memory_space<vmem>> -> memref<128x128xf32, #tpu.memory_space<vmem>>
    %dma_start3A_21 = arith.constant 256 : i32
    %dma_start3A_22 = tpu.memref_slice %arg9[%dma_start3A_21] : memref<512xi32, #tpu.memory_space<vmem>> -> memref<128xi32, #tpu.memory_space<vmem>>
    %dma_start3A_23 = arith.constant 0 : i32
    %dma_start3A_24 = arith.constant 0 : i32
    %dma_start3A_25 = tpu.memref_slice %arg2[%dma_start3A_23, %dma_start3A_24] : memref<100000x128xf32, #tpu.memory_space<hbm>> -> memref<100000x128xf32, #tpu.memory_space<hbm>>
    tpu.enqueue_indirect_dma source(%dma_start3A_25 : memref<100000x128xf32, #tpu.memory_space<hbm>>) target(%dma_start3A_20 : memref<128x128xf32, #tpu.memory_space<vmem>>) offsets(%dma_start3A_22 : memref<128xi32, #tpu.memory_space<vmem>>) semaphore(%arg11 : memref<!tpu.dma_semaphore, #tpu.memory_space<semaphore_mem>>)
    %dma_start3A_26 = arith.constant 384 : i32
    %dma_start3A_27 = arith.constant 0 : i32
    %dma_start3A_28 = tpu.memref_slice %arg10[%dma_start3A_26, %dma_start3A_27] : memref<512x128xf32, #tpu.memory_space<vmem>> -> memref<128x128xf32, #tpu.memory_space<vmem>>
    %dma_start3A_29 = arith.constant 384 : i32
    %dma_start3A_30 = tpu.memref_slice %arg9[%dma_start3A_29] : memref<512xi32, #tpu.memory_space<vmem>> -> memref<128xi32, #tpu.memory_space<vmem>>
    %dma_start3A_31 = arith.constant 0 : i32
    %dma_start3A_32 = arith.constant 0 : i32
    %dma_start3A_33 = tpu.memref_slice %arg2[%dma_start3A_31, %dma_start3A_32] : memref<100000x128xf32, #tpu.memory_space<hbm>> -> memref<100000x128xf32, #tpu.memory_space<hbm>>
    tpu.enqueue_indirect_dma source(%dma_start3A_33 : memref<100000x128xf32, #tpu.memory_space<hbm>>) target(%dma_start3A_28 : memref<128x128xf32, #tpu.memory_space<vmem>>) offsets(%dma_start3A_30 : memref<128xi32, #tpu.memory_space<vmem>>) semaphore(%arg11 : memref<!tpu.dma_semaphore, #tpu.memory_space<semaphore_mem>>)
    %dma_wait3A = arith.constant 0 : i32
    %dma_wait3A_34 = arith.constant 0 : i32
    %dma_wait3A_35 = tpu.memref_slice %arg10[%dma_wait3A, %dma_wait3A_34] : memref<512x128xf32, #tpu.memory_space<vmem>> -> memref<128x128xf32, #tpu.memory_space<vmem>>
    %dma_wait3A_36 = arith.constant 0 : i32
    %dma_wait3A_37 = tpu.memref_slice %arg9[%dma_wait3A_36] : memref<512xi32, #tpu.memory_space<vmem>> -> memref<128xi32, #tpu.memory_space<vmem>>
    %dma_wait3A_38 = arith.constant 0 : i32
    %dma_wait3A_39 = arith.constant 0 : i32
    %dma_wait3A_40 = tpu.memref_slice %arg2[%dma_wait3A_38, %dma_wait3A_39] : memref<100000x128xf32, #tpu.memory_space<hbm>> -> memref<100000x128xf32, #tpu.memory_space<hbm>>
    tpu.wait_indirect_dma semaphore(%arg11 : memref<!tpu.dma_semaphore, #tpu.memory_space<semaphore_mem>>) src(%dma_wait3A_40 : memref<100000x128xf32, #tpu.memory_space<hbm>>) dst(%dma_wait3A_35 : memref<128x128xf32, #tpu.memory_space<vmem>>)
    %dma_wait3A_41 = arith.constant 128 : i32
    %dma_wait3A_42 = arith.constant 0 : i32
    %dma_wait3A_43 = tpu.memref_slice %arg10[%dma_wait3A_41, %dma_wait3A_42] : memref<512x128xf32, #tpu.memory_space<vmem>> -> memref<128x128xf32, #tpu.memory_space<vmem>>
    %dma_wait3A_44 = arith.constant 128 : i32
    %dma_wait3A_45 = tpu.memref_slice %arg9[%dma_wait3A_44] : memref<512xi32, #tpu.memory_space<vmem>> -> memref<128xi32, #tpu.memory_space<vmem>>
    %dma_wait3A_46 = arith.constant 0 : i32
    %dma_wait3A_47 = arith.constant 0 : i32
    %dma_wait3A_48 = tpu.memref_slice %arg2[%dma_wait3A_46, %dma_wait3A_47] : memref<100000x128xf32, #tpu.memory_space<hbm>> -> memref<100000x128xf32, #tpu.memory_space<hbm>>
    tpu.wait_indirect_dma semaphore(%arg11 : memref<!tpu.dma_semaphore, #tpu.memory_space<semaphore_mem>>) src(%dma_wait3A_48 : memref<100000x128xf32, #tpu.memory_space<hbm>>) dst(%dma_wait3A_43 : memref<128x128xf32, #tpu.memory_space<vmem>>)
    %dma_wait3A_49 = arith.constant 256 : i32
    %dma_wait3A_50 = arith.constant 0 : i32
    %dma_wait3A_51 = tpu.memref_slice %arg10[%dma_wait3A_49, %dma_wait3A_50] : memref<512x128xf32, #tpu.memory_space<vmem>> -> memref<128x128xf32, #tpu.memory_space<vmem>>
    %dma_wait3A_52 = arith.constant 256 : i32
    %dma_wait3A_53 = tpu.memref_slice %arg9[%dma_wait3A_52] : memref<512xi32, #tpu.memory_space<vmem>> -> memref<128xi32, #tpu.memory_space<vmem>>
    %dma_wait3A_54 = arith.constant 0 : i32
    %dma_wait3A_55 = arith.constant 0 : i32
    %dma_wait3A_56 = tpu.memref_slice %arg2[%dma_wait3A_54, %dma_wait3A_55] : memref<100000x128xf32, #tpu.memory_space<hbm>> -> memref<100000x128xf32, #tpu.memory_space<hbm>>
    tpu.wait_indirect_dma semaphore(%arg11 : memref<!tpu.dma_semaphore, #tpu.memory_space<semaphore_mem>>) src(%dma_wait3A_56 : memref<100000x128xf32, #tpu.memory_space<hbm>>) dst(%dma_wait3A_51 : memref<128x128xf32, #tpu.memory_space<vmem>>)
    %dma_wait3A_57 = arith.constant 384 : i32
    %dma_wait3A_58 = arith.constant 0 : i32
    %dma_wait3A_59 = tpu.memref_slice %arg10[%dma_wait3A_57, %dma_wait3A_58] : memref<512x128xf32, #tpu.memory_space<vmem>> -> memref<128x128xf32, #tpu.memory_space<vmem>>
    %dma_wait3A_60 = arith.constant 384 : i32
    %dma_wait3A_61 = tpu.memref_slice %arg9[%dma_wait3A_60] : memref<512xi32, #tpu.memory_space<vmem>> -> memref<128xi32, #tpu.memory_space<vmem>>
    %dma_wait3A_62 = arith.constant 0 : i32
    %dma_wait3A_63 = arith.constant 0 : i32
    %dma_wait3A_64 = tpu.memref_slice %arg2[%dma_wait3A_62, %dma_wait3A_63] : memref<100000x128xf32, #tpu.memory_space<hbm>> -> memref<100000x128xf32, #tpu.memory_space<hbm>>
    tpu.wait_indirect_dma semaphore(%arg11 : memref<!tpu.dma_semaphore, #tpu.memory_space<semaphore_mem>>) src(%dma_wait3A_64 : memref<100000x128xf32, #tpu.memory_space<hbm>>) dst(%dma_wait3A_59 : memref<128x128xf32, #tpu.memory_space<vmem>>)
    "tpu.region"() ({
      %run_scoped3A = tpu.sem_alloc : memref<!tpu.dma_semaphore, #tpu.memory_space<semaphore_mem>>
      %dma_start3A_257 = arith.constant 0 : i32
      %dma_start3A_258 = tpu.memref_slice %arg8[%mul3A_2, %dma_start3A_257] : memref<16384x512xf32, #tpu.memory_space<hbm>> -> memref<512x128xf32, #tpu.memory_space<hbm>>
      %dma_start3A_259 = arith.constant 0 : i32
      %dma_start3A_260 = tpu.memref_slice %arg8[%mul3A_2, %dma_start3A_259] : memref<16384x512xf32, #tpu.memory_space<hbm>> -> memref<512x128xf32, #tpu.memory_space<hbm>>
      tpu.enqueue_dma source(%arg10 : memref<512x128xf32, #tpu.memory_space<vmem>>) target(%dma_start3A_260 : memref<512x128xf32, #tpu.memory_space<hbm>>) target_semaphore(%run_scoped3A : memref<!tpu.dma_semaphore, #tpu.memory_space<semaphore_mem>>)
      %dma_wait3A_261 = arith.constant 0 : i32
      %dma_wait3A_262 = tpu.memref_slice %arg8[%mul3A_2, %dma_wait3A_261] : memref<16384x512xf32, #tpu.memory_space<hbm>> -> memref<512x128xf32, #tpu.memory_space<hbm>>
      %dma_wait3A_263 = arith.constant 0 : i32
      %dma_wait3A_264 = tpu.memref_slice %arg8[%mul3A_2, %dma_wait3A_263] : memref<16384x512xf32, #tpu.memory_space<hbm>> -> memref<512x128xf32, #tpu.memory_space<hbm>>
      tpu.wait_dma2 semaphore(%run_scoped3A : memref<!tpu.dma_semaphore, #tpu.memory_space<semaphore_mem>>) src(%arg10 : memref<512x128xf32, #tpu.memory_space<vmem>>) dst(%dma_wait3A_264 : memref<512x128xf32, #tpu.memory_space<hbm>>)
      tpu.yield
    }) : () -> ()
    %dma_start3A_65 = arith.constant 0 : i32
    %dma_start3A_66 = arith.constant 0 : i32
    %dma_start3A_67 = tpu.memref_slice %arg10[%dma_start3A_65, %dma_start3A_66] : memref<512x128xf32, #tpu.memory_space<vmem>> -> memref<128x128xf32, #tpu.memory_space<vmem>>
    %dma_start3A_68 = arith.constant 0 : i32
    %dma_start3A_69 = tpu.memref_slice %arg9[%dma_start3A_68] : memref<512xi32, #tpu.memory_space<vmem>> -> memref<128xi32, #tpu.memory_space<vmem>>
    %dma_start3A_70 = arith.constant 0 : i32
    %dma_start3A_71 = arith.constant 0 : i32
    %dma_start3A_72 = tpu.memref_slice %arg3[%dma_start3A_70, %dma_start3A_71] : memref<100000x128xf32, #tpu.memory_space<hbm>> -> memref<100000x128xf32, #tpu.memory_space<hbm>>
    tpu.enqueue_indirect_dma source(%dma_start3A_72 : memref<100000x128xf32, #tpu.memory_space<hbm>>) target(%dma_start3A_67 : memref<128x128xf32, #tpu.memory_space<vmem>>) offsets(%dma_start3A_69 : memref<128xi32, #tpu.memory_space<vmem>>) semaphore(%arg11 : memref<!tpu.dma_semaphore, #tpu.memory_space<semaphore_mem>>)
    %dma_start3A_73 = arith.constant 128 : i32
    %dma_start3A_74 = arith.constant 0 : i32
    %dma_start3A_75 = tpu.memref_slice %arg10[%dma_start3A_73, %dma_start3A_74] : memref<512x128xf32, #tpu.memory_space<vmem>> -> memref<128x128xf32, #tpu.memory_space<vmem>>
    %dma_start3A_76 = arith.constant 128 : i32
    %dma_start3A_77 = tpu.memref_slice %arg9[%dma_start3A_76] : memref<512xi32, #tpu.memory_space<vmem>> -> memref<128xi32, #tpu.memory_space<vmem>>
    %dma_start3A_78 = arith.constant 0 : i32
    %dma_start3A_79 = arith.constant 0 : i32
    %dma_start3A_80 = tpu.memref_slice %arg3[%dma_start3A_78, %dma_start3A_79] : memref<100000x128xf32, #tpu.memory_space<hbm>> -> memref<100000x128xf32, #tpu.memory_space<hbm>>
    tpu.enqueue_indirect_dma source(%dma_start3A_80 : memref<100000x128xf32, #tpu.memory_space<hbm>>) target(%dma_start3A_75 : memref<128x128xf32, #tpu.memory_space<vmem>>) offsets(%dma_start3A_77 : memref<128xi32, #tpu.memory_space<vmem>>) semaphore(%arg11 : memref<!tpu.dma_semaphore, #tpu.memory_space<semaphore_mem>>)
    %dma_start3A_81 = arith.constant 256 : i32
    %dma_start3A_82 = arith.constant 0 : i32
    %dma_start3A_83 = tpu.memref_slice %arg10[%dma_start3A_81, %dma_start3A_82] : memref<512x128xf32, #tpu.memory_space<vmem>> -> memref<128x128xf32, #tpu.memory_space<vmem>>
    %dma_start3A_84 = arith.constant 256 : i32
    %dma_start3A_85 = tpu.memref_slice %arg9[%dma_start3A_84] : memref<512xi32, #tpu.memory_space<vmem>> -> memref<128xi32, #tpu.memory_space<vmem>>
    %dma_start3A_86 = arith.constant 0 : i32
    %dma_start3A_87 = arith.constant 0 : i32
    %dma_start3A_88 = tpu.memref_slice %arg3[%dma_start3A_86, %dma_start3A_87] : memref<100000x128xf32, #tpu.memory_space<hbm>> -> memref<100000x128xf32, #tpu.memory_space<hbm>>
    tpu.enqueue_indirect_dma source(%dma_start3A_88 : memref<100000x128xf32, #tpu.memory_space<hbm>>) target(%dma_start3A_83 : memref<128x128xf32, #tpu.memory_space<vmem>>) offsets(%dma_start3A_85 : memref<128xi32, #tpu.memory_space<vmem>>) semaphore(%arg11 : memref<!tpu.dma_semaphore, #tpu.memory_space<semaphore_mem>>)
    %dma_start3A_89 = arith.constant 384 : i32
    %dma_start3A_90 = arith.constant 0 : i32
    %dma_start3A_91 = tpu.memref_slice %arg10[%dma_start3A_89, %dma_start3A_90] : memref<512x128xf32, #tpu.memory_space<vmem>> -> memref<128x128xf32, #tpu.memory_space<vmem>>
    %dma_start3A_92 = arith.constant 384 : i32
    %dma_start3A_93 = tpu.memref_slice %arg9[%dma_start3A_92] : memref<512xi32, #tpu.memory_space<vmem>> -> memref<128xi32, #tpu.memory_space<vmem>>
    %dma_start3A_94 = arith.constant 0 : i32
    %dma_start3A_95 = arith.constant 0 : i32
    %dma_start3A_96 = tpu.memref_slice %arg3[%dma_start3A_94, %dma_start3A_95] : memref<100000x128xf32, #tpu.memory_space<hbm>> -> memref<100000x128xf32, #tpu.memory_space<hbm>>
    tpu.enqueue_indirect_dma source(%dma_start3A_96 : memref<100000x128xf32, #tpu.memory_space<hbm>>) target(%dma_start3A_91 : memref<128x128xf32, #tpu.memory_space<vmem>>) offsets(%dma_start3A_93 : memref<128xi32, #tpu.memory_space<vmem>>) semaphore(%arg11 : memref<!tpu.dma_semaphore, #tpu.memory_space<semaphore_mem>>)
    %dma_wait3A_97 = arith.constant 0 : i32
    %dma_wait3A_98 = arith.constant 0 : i32
    %dma_wait3A_99 = tpu.memref_slice %arg10[%dma_wait3A_97, %dma_wait3A_98] : memref<512x128xf32, #tpu.memory_space<vmem>> -> memref<128x128xf32, #tpu.memory_space<vmem>>
    %dma_wait3A_100 = arith.constant 0 : i32
    %dma_wait3A_101 = tpu.memref_slice %arg9[%dma_wait3A_100] : memref<512xi32, #tpu.memory_space<vmem>> -> memref<128xi32, #tpu.memory_space<vmem>>
    %dma_wait3A_102 = arith.constant 0 : i32
    %dma_wait3A_103 = arith.constant 0 : i32
    %dma_wait3A_104 = tpu.memref_slice %arg3[%dma_wait3A_102, %dma_wait3A_103] : memref<100000x128xf32, #tpu.memory_space<hbm>> -> memref<100000x128xf32, #tpu.memory_space<hbm>>
    tpu.wait_indirect_dma semaphore(%arg11 : memref<!tpu.dma_semaphore, #tpu.memory_space<semaphore_mem>>) src(%dma_wait3A_104 : memref<100000x128xf32, #tpu.memory_space<hbm>>) dst(%dma_wait3A_99 : memref<128x128xf32, #tpu.memory_space<vmem>>)
    %dma_wait3A_105 = arith.constant 128 : i32
    %dma_wait3A_106 = arith.constant 0 : i32
    %dma_wait3A_107 = tpu.memref_slice %arg10[%dma_wait3A_105, %dma_wait3A_106] : memref<512x128xf32, #tpu.memory_space<vmem>> -> memref<128x128xf32, #tpu.memory_space<vmem>>
    %dma_wait3A_108 = arith.constant 128 : i32
    %dma_wait3A_109 = tpu.memref_slice %arg9[%dma_wait3A_108] : memref<512xi32, #tpu.memory_space<vmem>> -> memref<128xi32, #tpu.memory_space<vmem>>
    %dma_wait3A_110 = arith.constant 0 : i32
    %dma_wait3A_111 = arith.constant 0 : i32
    %dma_wait3A_112 = tpu.memref_slice %arg3[%dma_wait3A_110, %dma_wait3A_111] : memref<100000x128xf32, #tpu.memory_space<hbm>> -> memref<100000x128xf32, #tpu.memory_space<hbm>>
    tpu.wait_indirect_dma semaphore(%arg11 : memref<!tpu.dma_semaphore, #tpu.memory_space<semaphore_mem>>) src(%dma_wait3A_112 : memref<100000x128xf32, #tpu.memory_space<hbm>>) dst(%dma_wait3A_107 : memref<128x128xf32, #tpu.memory_space<vmem>>)
    %dma_wait3A_113 = arith.constant 256 : i32
    %dma_wait3A_114 = arith.constant 0 : i32
    %dma_wait3A_115 = tpu.memref_slice %arg10[%dma_wait3A_113, %dma_wait3A_114] : memref<512x128xf32, #tpu.memory_space<vmem>> -> memref<128x128xf32, #tpu.memory_space<vmem>>
    %dma_wait3A_116 = arith.constant 256 : i32
    %dma_wait3A_117 = tpu.memref_slice %arg9[%dma_wait3A_116] : memref<512xi32, #tpu.memory_space<vmem>> -> memref<128xi32, #tpu.memory_space<vmem>>
    %dma_wait3A_118 = arith.constant 0 : i32
    %dma_wait3A_119 = arith.constant 0 : i32
    %dma_wait3A_120 = tpu.memref_slice %arg3[%dma_wait3A_118, %dma_wait3A_119] : memref<100000x128xf32, #tpu.memory_space<hbm>> -> memref<100000x128xf32, #tpu.memory_space<hbm>>
    tpu.wait_indirect_dma semaphore(%arg11 : memref<!tpu.dma_semaphore, #tpu.memory_space<semaphore_mem>>) src(%dma_wait3A_120 : memref<100000x128xf32, #tpu.memory_space<hbm>>) dst(%dma_wait3A_115 : memref<128x128xf32, #tpu.memory_space<vmem>>)
    %dma_wait3A_121 = arith.constant 384 : i32
    %dma_wait3A_122 = arith.constant 0 : i32
    %dma_wait3A_123 = tpu.memref_slice %arg10[%dma_wait3A_121, %dma_wait3A_122] : memref<512x128xf32, #tpu.memory_space<vmem>> -> memref<128x128xf32, #tpu.memory_space<vmem>>
    %dma_wait3A_124 = arith.constant 384 : i32
    %dma_wait3A_125 = tpu.memref_slice %arg9[%dma_wait3A_124] : memref<512xi32, #tpu.memory_space<vmem>> -> memref<128xi32, #tpu.memory_space<vmem>>
    %dma_wait3A_126 = arith.constant 0 : i32
    %dma_wait3A_127 = arith.constant 0 : i32
    %dma_wait3A_128 = tpu.memref_slice %arg3[%dma_wait3A_126, %dma_wait3A_127] : memref<100000x128xf32, #tpu.memory_space<hbm>> -> memref<100000x128xf32, #tpu.memory_space<hbm>>
    tpu.wait_indirect_dma semaphore(%arg11 : memref<!tpu.dma_semaphore, #tpu.memory_space<semaphore_mem>>) src(%dma_wait3A_128 : memref<100000x128xf32, #tpu.memory_space<hbm>>) dst(%dma_wait3A_123 : memref<128x128xf32, #tpu.memory_space<vmem>>)
    "tpu.region"() ({
      %run_scoped3A = tpu.sem_alloc : memref<!tpu.dma_semaphore, #tpu.memory_space<semaphore_mem>>
      %dma_start3A_257 = arith.constant 128 : i32
      %dma_start3A_258 = tpu.memref_slice %arg8[%mul3A_2, %dma_start3A_257] : memref<16384x512xf32, #tpu.memory_space<hbm>> -> memref<512x128xf32, #tpu.memory_space<hbm>>
      %dma_start3A_259 = arith.constant 128 : i32
      %dma_start3A_260 = tpu.memref_slice %arg8[%mul3A_2, %dma_start3A_259] : memref<16384x512xf32, #tpu.memory_space<hbm>> -> memref<512x128xf32, #tpu.memory_space<hbm>>
      tpu.enqueue_dma source(%arg10 : memref<512x128xf32, #tpu.memory_space<vmem>>) target(%dma_start3A_260 : memref<512x128xf32, #tpu.memory_space<hbm>>) target_semaphore(%run_scoped3A : memref<!tpu.dma_semaphore, #tpu.memory_space<semaphore_mem>>)
      %dma_wait3A_261 = arith.constant 128 : i32
      %dma_wait3A_262 = tpu.memref_slice %arg8[%mul3A_2, %dma_wait3A_261] : memref<16384x512xf32, #tpu.memory_space<hbm>> -> memref<512x128xf32, #tpu.memory_space<hbm>>
      %dma_wait3A_263 = arith.constant 128 : i32
      %dma_wait3A_264 = tpu.memref_slice %arg8[%mul3A_2, %dma_wait3A_263] : memref<16384x512xf32, #tpu.memory_space<hbm>> -> memref<512x128xf32, #tpu.memory_space<hbm>>
      tpu.wait_dma2 semaphore(%run_scoped3A : memref<!tpu.dma_semaphore, #tpu.memory_space<semaphore_mem>>) src(%arg10 : memref<512x128xf32, #tpu.memory_space<vmem>>) dst(%dma_wait3A_264 : memref<512x128xf32, #tpu.memory_space<hbm>>)
      tpu.yield
    }) : () -> ()
    "tpu.region"() ({
      %run_scoped3A = tpu.sem_alloc : memref<!tpu.dma_semaphore, #tpu.memory_space<semaphore_mem>>
      %dma_start3A_257 = tpu.memref_slice %arg7[%mul3A_2] : memref<16384xi32, #tpu.memory_space<hbm>> -> memref<512xi32, #tpu.memory_space<hbm>>
      %dma_start3A_258 = tpu.memref_slice %arg7[%mul3A_2] : memref<16384xi32, #tpu.memory_space<hbm>> -> memref<512xi32, #tpu.memory_space<hbm>>
      tpu.enqueue_dma source(%dma_start3A_258 : memref<512xi32, #tpu.memory_space<hbm>>) target(%arg9 : memref<512xi32, #tpu.memory_space<vmem>>) target_semaphore(%run_scoped3A : memref<!tpu.dma_semaphore, #tpu.memory_space<semaphore_mem>>)
      %dma_wait3A_259 = tpu.memref_slice %arg7[%mul3A_2] : memref<16384xi32, #tpu.memory_space<hbm>> -> memref<512xi32, #tpu.memory_space<hbm>>
      %dma_wait3A_260 = tpu.memref_slice %arg7[%mul3A_2] : memref<16384xi32, #tpu.memory_space<hbm>> -> memref<512xi32, #tpu.memory_space<hbm>>
      tpu.wait_dma2 semaphore(%run_scoped3A : memref<!tpu.dma_semaphore, #tpu.memory_space<semaphore_mem>>) src(%dma_wait3A_260 : memref<512xi32, #tpu.memory_space<hbm>>) dst(%arg9 : memref<512xi32, #tpu.memory_space<vmem>>)
      tpu.yield
    }) : () -> ()
    %dma_start3A_129 = arith.constant 0 : i32
    %dma_start3A_130 = arith.constant 0 : i32
    %dma_start3A_131 = tpu.memref_slice %arg10[%dma_start3A_129, %dma_start3A_130] : memref<512x128xf32, #tpu.memory_space<vmem>> -> memref<128x128xf32, #tpu.memory_space<vmem>>
    %dma_start3A_132 = arith.constant 0 : i32
    %dma_start3A_133 = tpu.memref_slice %arg9[%dma_start3A_132] : memref<512xi32, #tpu.memory_space<vmem>> -> memref<128xi32, #tpu.memory_space<vmem>>
    %dma_start3A_134 = arith.constant 0 : i32
    %dma_start3A_135 = arith.constant 0 : i32
    %dma_start3A_136 = tpu.memref_slice %arg4[%dma_start3A_134, %dma_start3A_135] : memref<512x128xf32, #tpu.memory_space<hbm>> -> memref<512x128xf32, #tpu.memory_space<hbm>>
    tpu.enqueue_indirect_dma source(%dma_start3A_136 : memref<512x128xf32, #tpu.memory_space<hbm>>) target(%dma_start3A_131 : memref<128x128xf32, #tpu.memory_space<vmem>>) offsets(%dma_start3A_133 : memref<128xi32, #tpu.memory_space<vmem>>) semaphore(%arg11 : memref<!tpu.dma_semaphore, #tpu.memory_space<semaphore_mem>>)
    %dma_start3A_137 = arith.constant 128 : i32
    %dma_start3A_138 = arith.constant 0 : i32
    %dma_start3A_139 = tpu.memref_slice %arg10[%dma_start3A_137, %dma_start3A_138] : memref<512x128xf32, #tpu.memory_space<vmem>> -> memref<128x128xf32, #tpu.memory_space<vmem>>
    %dma_start3A_140 = arith.constant 128 : i32
    %dma_start3A_141 = tpu.memref_slice %arg9[%dma_start3A_140] : memref<512xi32, #tpu.memory_space<vmem>> -> memref<128xi32, #tpu.memory_space<vmem>>
    %dma_start3A_142 = arith.constant 0 : i32
    %dma_start3A_143 = arith.constant 0 : i32
    %dma_start3A_144 = tpu.memref_slice %arg4[%dma_start3A_142, %dma_start3A_143] : memref<512x128xf32, #tpu.memory_space<hbm>> -> memref<512x128xf32, #tpu.memory_space<hbm>>
    tpu.enqueue_indirect_dma source(%dma_start3A_144 : memref<512x128xf32, #tpu.memory_space<hbm>>) target(%dma_start3A_139 : memref<128x128xf32, #tpu.memory_space<vmem>>) offsets(%dma_start3A_141 : memref<128xi32, #tpu.memory_space<vmem>>) semaphore(%arg11 : memref<!tpu.dma_semaphore, #tpu.memory_space<semaphore_mem>>)
    %dma_start3A_145 = arith.constant 256 : i32
    %dma_start3A_146 = arith.constant 0 : i32
    %dma_start3A_147 = tpu.memref_slice %arg10[%dma_start3A_145, %dma_start3A_146] : memref<512x128xf32, #tpu.memory_space<vmem>> -> memref<128x128xf32, #tpu.memory_space<vmem>>
    %dma_start3A_148 = arith.constant 256 : i32
    %dma_start3A_149 = tpu.memref_slice %arg9[%dma_start3A_148] : memref<512xi32, #tpu.memory_space<vmem>> -> memref<128xi32, #tpu.memory_space<vmem>>
    %dma_start3A_150 = arith.constant 0 : i32
    %dma_start3A_151 = arith.constant 0 : i32
    %dma_start3A_152 = tpu.memref_slice %arg4[%dma_start3A_150, %dma_start3A_151] : memref<512x128xf32, #tpu.memory_space<hbm>> -> memref<512x128xf32, #tpu.memory_space<hbm>>
    tpu.enqueue_indirect_dma source(%dma_start3A_152 : memref<512x128xf32, #tpu.memory_space<hbm>>) target(%dma_start3A_147 : memref<128x128xf32, #tpu.memory_space<vmem>>) offsets(%dma_start3A_149 : memref<128xi32, #tpu.memory_space<vmem>>) semaphore(%arg11 : memref<!tpu.dma_semaphore, #tpu.memory_space<semaphore_mem>>)
    %dma_start3A_153 = arith.constant 384 : i32
    %dma_start3A_154 = arith.constant 0 : i32
    %dma_start3A_155 = tpu.memref_slice %arg10[%dma_start3A_153, %dma_start3A_154] : memref<512x128xf32, #tpu.memory_space<vmem>> -> memref<128x128xf32, #tpu.memory_space<vmem>>
    %dma_start3A_156 = arith.constant 384 : i32
    %dma_start3A_157 = tpu.memref_slice %arg9[%dma_start3A_156] : memref<512xi32, #tpu.memory_space<vmem>> -> memref<128xi32, #tpu.memory_space<vmem>>
    %dma_start3A_158 = arith.constant 0 : i32
    %dma_start3A_159 = arith.constant 0 : i32
    %dma_start3A_160 = tpu.memref_slice %arg4[%dma_start3A_158, %dma_start3A_159] : memref<512x128xf32, #tpu.memory_space<hbm>> -> memref<512x128xf32, #tpu.memory_space<hbm>>
    tpu.enqueue_indirect_dma source(%dma_start3A_160 : memref<512x128xf32, #tpu.memory_space<hbm>>) target(%dma_start3A_155 : memref<128x128xf32, #tpu.memory_space<vmem>>) offsets(%dma_start3A_157 : memref<128xi32, #tpu.memory_space<vmem>>) semaphore(%arg11 : memref<!tpu.dma_semaphore, #tpu.memory_space<semaphore_mem>>)
    %dma_wait3A_161 = arith.constant 0 : i32
    %dma_wait3A_162 = arith.constant 0 : i32
    %dma_wait3A_163 = tpu.memref_slice %arg10[%dma_wait3A_161, %dma_wait3A_162] : memref<512x128xf32, #tpu.memory_space<vmem>> -> memref<128x128xf32, #tpu.memory_space<vmem>>
    %dma_wait3A_164 = arith.constant 0 : i32
    %dma_wait3A_165 = tpu.memref_slice %arg9[%dma_wait3A_164] : memref<512xi32, #tpu.memory_space<vmem>> -> memref<128xi32, #tpu.memory_space<vmem>>
    %dma_wait3A_166 = arith.constant 0 : i32
    %dma_wait3A_167 = arith.constant 0 : i32
    %dma_wait3A_168 = tpu.memref_slice %arg4[%dma_wait3A_166, %dma_wait3A_167] : memref<512x128xf32, #tpu.memory_space<hbm>> -> memref<512x128xf32, #tpu.memory_space<hbm>>
    tpu.wait_indirect_dma semaphore(%arg11 : memref<!tpu.dma_semaphore, #tpu.memory_space<semaphore_mem>>) src(%dma_wait3A_168 : memref<512x128xf32, #tpu.memory_space<hbm>>) dst(%dma_wait3A_163 : memref<128x128xf32, #tpu.memory_space<vmem>>)
    %dma_wait3A_169 = arith.constant 128 : i32
    %dma_wait3A_170 = arith.constant 0 : i32
    %dma_wait3A_171 = tpu.memref_slice %arg10[%dma_wait3A_169, %dma_wait3A_170] : memref<512x128xf32, #tpu.memory_space<vmem>> -> memref<128x128xf32, #tpu.memory_space<vmem>>
    %dma_wait3A_172 = arith.constant 128 : i32
    %dma_wait3A_173 = tpu.memref_slice %arg9[%dma_wait3A_172] : memref<512xi32, #tpu.memory_space<vmem>> -> memref<128xi32, #tpu.memory_space<vmem>>
    %dma_wait3A_174 = arith.constant 0 : i32
    %dma_wait3A_175 = arith.constant 0 : i32
    %dma_wait3A_176 = tpu.memref_slice %arg4[%dma_wait3A_174, %dma_wait3A_175] : memref<512x128xf32, #tpu.memory_space<hbm>> -> memref<512x128xf32, #tpu.memory_space<hbm>>
    tpu.wait_indirect_dma semaphore(%arg11 : memref<!tpu.dma_semaphore, #tpu.memory_space<semaphore_mem>>) src(%dma_wait3A_176 : memref<512x128xf32, #tpu.memory_space<hbm>>) dst(%dma_wait3A_171 : memref<128x128xf32, #tpu.memory_space<vmem>>)
    %dma_wait3A_177 = arith.constant 256 : i32
    %dma_wait3A_178 = arith.constant 0 : i32
    %dma_wait3A_179 = tpu.memref_slice %arg10[%dma_wait3A_177, %dma_wait3A_178] : memref<512x128xf32, #tpu.memory_space<vmem>> -> memref<128x128xf32, #tpu.memory_space<vmem>>
    %dma_wait3A_180 = arith.constant 256 : i32
    %dma_wait3A_181 = tpu.memref_slice %arg9[%dma_wait3A_180] : memref<512xi32, #tpu.memory_space<vmem>> -> memref<128xi32, #tpu.memory_space<vmem>>
    %dma_wait3A_182 = arith.constant 0 : i32
    %dma_wait3A_183 = arith.constant 0 : i32
    %dma_wait3A_184 = tpu.memref_slice %arg4[%dma_wait3A_182, %dma_wait3A_183] : memref<512x128xf32, #tpu.memory_space<hbm>> -> memref<512x128xf32, #tpu.memory_space<hbm>>
    tpu.wait_indirect_dma semaphore(%arg11 : memref<!tpu.dma_semaphore, #tpu.memory_space<semaphore_mem>>) src(%dma_wait3A_184 : memref<512x128xf32, #tpu.memory_space<hbm>>) dst(%dma_wait3A_179 : memref<128x128xf32, #tpu.memory_space<vmem>>)
    %dma_wait3A_185 = arith.constant 384 : i32
    %dma_wait3A_186 = arith.constant 0 : i32
    %dma_wait3A_187 = tpu.memref_slice %arg10[%dma_wait3A_185, %dma_wait3A_186] : memref<512x128xf32, #tpu.memory_space<vmem>> -> memref<128x128xf32, #tpu.memory_space<vmem>>
    %dma_wait3A_188 = arith.constant 384 : i32
    %dma_wait3A_189 = tpu.memref_slice %arg9[%dma_wait3A_188] : memref<512xi32, #tpu.memory_space<vmem>> -> memref<128xi32, #tpu.memory_space<vmem>>
    %dma_wait3A_190 = arith.constant 0 : i32
    %dma_wait3A_191 = arith.constant 0 : i32
    %dma_wait3A_192 = tpu.memref_slice %arg4[%dma_wait3A_190, %dma_wait3A_191] : memref<512x128xf32, #tpu.memory_space<hbm>> -> memref<512x128xf32, #tpu.memory_space<hbm>>
    tpu.wait_indirect_dma semaphore(%arg11 : memref<!tpu.dma_semaphore, #tpu.memory_space<semaphore_mem>>) src(%dma_wait3A_192 : memref<512x128xf32, #tpu.memory_space<hbm>>) dst(%dma_wait3A_187 : memref<128x128xf32, #tpu.memory_space<vmem>>)
    "tpu.region"() ({
      %run_scoped3A = tpu.sem_alloc : memref<!tpu.dma_semaphore, #tpu.memory_space<semaphore_mem>>
      %dma_start3A_257 = arith.constant 256 : i32
      %dma_start3A_258 = tpu.memref_slice %arg8[%mul3A_2, %dma_start3A_257] : memref<16384x512xf32, #tpu.memory_space<hbm>> -> memref<512x128xf32, #tpu.memory_space<hbm>>
      %dma_start3A_259 = arith.constant 256 : i32
      %dma_start3A_260 = tpu.memref_slice %arg8[%mul3A_2, %dma_start3A_259] : memref<16384x512xf32, #tpu.memory_space<hbm>> -> memref<512x128xf32, #tpu.memory_space<hbm>>
      tpu.enqueue_dma source(%arg10 : memref<512x128xf32, #tpu.memory_space<vmem>>) target(%dma_start3A_260 : memref<512x128xf32, #tpu.memory_space<hbm>>) target_semaphore(%run_scoped3A : memref<!tpu.dma_semaphore, #tpu.memory_space<semaphore_mem>>)
      %dma_wait3A_261 = arith.constant 256 : i32
      %dma_wait3A_262 = tpu.memref_slice %arg8[%mul3A_2, %dma_wait3A_261] : memref<16384x512xf32, #tpu.memory_space<hbm>> -> memref<512x128xf32, #tpu.memory_space<hbm>>
      %dma_wait3A_263 = arith.constant 256 : i32
      %dma_wait3A_264 = tpu.memref_slice %arg8[%mul3A_2, %dma_wait3A_263] : memref<16384x512xf32, #tpu.memory_space<hbm>> -> memref<512x128xf32, #tpu.memory_space<hbm>>
      tpu.wait_dma2 semaphore(%run_scoped3A : memref<!tpu.dma_semaphore, #tpu.memory_space<semaphore_mem>>) src(%arg10 : memref<512x128xf32, #tpu.memory_space<vmem>>) dst(%dma_wait3A_264 : memref<512x128xf32, #tpu.memory_space<hbm>>)
      tpu.yield
    }) : () -> ()
    %dma_start3A_193 = arith.constant 0 : i32
    %dma_start3A_194 = arith.constant 0 : i32
    %dma_start3A_195 = tpu.memref_slice %arg10[%dma_start3A_193, %dma_start3A_194] : memref<512x128xf32, #tpu.memory_space<vmem>> -> memref<128x128xf32, #tpu.memory_space<vmem>>
    %dma_start3A_196 = arith.constant 0 : i32
    %dma_start3A_197 = tpu.memref_slice %arg9[%dma_start3A_196] : memref<512xi32, #tpu.memory_space<vmem>> -> memref<128xi32, #tpu.memory_space<vmem>>
    %dma_start3A_198 = arith.constant 0 : i32
    %dma_start3A_199 = arith.constant 0 : i32
    %dma_start3A_200 = tpu.memref_slice %arg5[%dma_start3A_198, %dma_start3A_199] : memref<512x128xf32, #tpu.memory_space<hbm>> -> memref<512x128xf32, #tpu.memory_space<hbm>>
    tpu.enqueue_indirect_dma source(%dma_start3A_200 : memref<512x128xf32, #tpu.memory_space<hbm>>) target(%dma_start3A_195 : memref<128x128xf32, #tpu.memory_space<vmem>>) offsets(%dma_start3A_197 : memref<128xi32, #tpu.memory_space<vmem>>) semaphore(%arg11 : memref<!tpu.dma_semaphore, #tpu.memory_space<semaphore_mem>>)
    %dma_start3A_201 = arith.constant 128 : i32
    %dma_start3A_202 = arith.constant 0 : i32
    %dma_start3A_203 = tpu.memref_slice %arg10[%dma_start3A_201, %dma_start3A_202] : memref<512x128xf32, #tpu.memory_space<vmem>> -> memref<128x128xf32, #tpu.memory_space<vmem>>
    %dma_start3A_204 = arith.constant 128 : i32
    %dma_start3A_205 = tpu.memref_slice %arg9[%dma_start3A_204] : memref<512xi32, #tpu.memory_space<vmem>> -> memref<128xi32, #tpu.memory_space<vmem>>
    %dma_start3A_206 = arith.constant 0 : i32
    %dma_start3A_207 = arith.constant 0 : i32
    %dma_start3A_208 = tpu.memref_slice %arg5[%dma_start3A_206, %dma_start3A_207] : memref<512x128xf32, #tpu.memory_space<hbm>> -> memref<512x128xf32, #tpu.memory_space<hbm>>
    tpu.enqueue_indirect_dma source(%dma_start3A_208 : memref<512x128xf32, #tpu.memory_space<hbm>>) target(%dma_start3A_203 : memref<128x128xf32, #tpu.memory_space<vmem>>) offsets(%dma_start3A_205 : memref<128xi32, #tpu.memory_space<vmem>>) semaphore(%arg11 : memref<!tpu.dma_semaphore, #tpu.memory_space<semaphore_mem>>)
    %dma_start3A_209 = arith.constant 256 : i32
    %dma_start3A_210 = arith.constant 0 : i32
    %dma_start3A_211 = tpu.memref_slice %arg10[%dma_start3A_209, %dma_start3A_210] : memref<512x128xf32, #tpu.memory_space<vmem>> -> memref<128x128xf32, #tpu.memory_space<vmem>>
    %dma_start3A_212 = arith.constant 256 : i32
    %dma_start3A_213 = tpu.memref_slice %arg9[%dma_start3A_212] : memref<512xi32, #tpu.memory_space<vmem>> -> memref<128xi32, #tpu.memory_space<vmem>>
    %dma_start3A_214 = arith.constant 0 : i32
    %dma_start3A_215 = arith.constant 0 : i32
    %dma_start3A_216 = tpu.memref_slice %arg5[%dma_start3A_214, %dma_start3A_215] : memref<512x128xf32, #tpu.memory_space<hbm>> -> memref<512x128xf32, #tpu.memory_space<hbm>>
    tpu.enqueue_indirect_dma source(%dma_start3A_216 : memref<512x128xf32, #tpu.memory_space<hbm>>) target(%dma_start3A_211 : memref<128x128xf32, #tpu.memory_space<vmem>>) offsets(%dma_start3A_213 : memref<128xi32, #tpu.memory_space<vmem>>) semaphore(%arg11 : memref<!tpu.dma_semaphore, #tpu.memory_space<semaphore_mem>>)
    %dma_start3A_217 = arith.constant 384 : i32
    %dma_start3A_218 = arith.constant 0 : i32
    %dma_start3A_219 = tpu.memref_slice %arg10[%dma_start3A_217, %dma_start3A_218] : memref<512x128xf32, #tpu.memory_space<vmem>> -> memref<128x128xf32, #tpu.memory_space<vmem>>
    %dma_start3A_220 = arith.constant 384 : i32
    %dma_start3A_221 = tpu.memref_slice %arg9[%dma_start3A_220] : memref<512xi32, #tpu.memory_space<vmem>> -> memref<128xi32, #tpu.memory_space<vmem>>
    %dma_start3A_222 = arith.constant 0 : i32
    %dma_start3A_223 = arith.constant 0 : i32
    %dma_start3A_224 = tpu.memref_slice %arg5[%dma_start3A_222, %dma_start3A_223] : memref<512x128xf32, #tpu.memory_space<hbm>> -> memref<512x128xf32, #tpu.memory_space<hbm>>
    tpu.enqueue_indirect_dma source(%dma_start3A_224 : memref<512x128xf32, #tpu.memory_space<hbm>>) target(%dma_start3A_219 : memref<128x128xf32, #tpu.memory_space<vmem>>) offsets(%dma_start3A_221 : memref<128xi32, #tpu.memory_space<vmem>>) semaphore(%arg11 : memref<!tpu.dma_semaphore, #tpu.memory_space<semaphore_mem>>)
    %dma_wait3A_225 = arith.constant 0 : i32
    %dma_wait3A_226 = arith.constant 0 : i32
    %dma_wait3A_227 = tpu.memref_slice %arg10[%dma_wait3A_225, %dma_wait3A_226] : memref<512x128xf32, #tpu.memory_space<vmem>> -> memref<128x128xf32, #tpu.memory_space<vmem>>
    %dma_wait3A_228 = arith.constant 0 : i32
    %dma_wait3A_229 = tpu.memref_slice %arg9[%dma_wait3A_228] : memref<512xi32, #tpu.memory_space<vmem>> -> memref<128xi32, #tpu.memory_space<vmem>>
    %dma_wait3A_230 = arith.constant 0 : i32
    %dma_wait3A_231 = arith.constant 0 : i32
    %dma_wait3A_232 = tpu.memref_slice %arg5[%dma_wait3A_230, %dma_wait3A_231] : memref<512x128xf32, #tpu.memory_space<hbm>> -> memref<512x128xf32, #tpu.memory_space<hbm>>
    tpu.wait_indirect_dma semaphore(%arg11 : memref<!tpu.dma_semaphore, #tpu.memory_space<semaphore_mem>>) src(%dma_wait3A_232 : memref<512x128xf32, #tpu.memory_space<hbm>>) dst(%dma_wait3A_227 : memref<128x128xf32, #tpu.memory_space<vmem>>)
    %dma_wait3A_233 = arith.constant 128 : i32
    %dma_wait3A_234 = arith.constant 0 : i32
    %dma_wait3A_235 = tpu.memref_slice %arg10[%dma_wait3A_233, %dma_wait3A_234] : memref<512x128xf32, #tpu.memory_space<vmem>> -> memref<128x128xf32, #tpu.memory_space<vmem>>
    %dma_wait3A_236 = arith.constant 128 : i32
    %dma_wait3A_237 = tpu.memref_slice %arg9[%dma_wait3A_236] : memref<512xi32, #tpu.memory_space<vmem>> -> memref<128xi32, #tpu.memory_space<vmem>>
    %dma_wait3A_238 = arith.constant 0 : i32
    %dma_wait3A_239 = arith.constant 0 : i32
    %dma_wait3A_240 = tpu.memref_slice %arg5[%dma_wait3A_238, %dma_wait3A_239] : memref<512x128xf32, #tpu.memory_space<hbm>> -> memref<512x128xf32, #tpu.memory_space<hbm>>
    tpu.wait_indirect_dma semaphore(%arg11 : memref<!tpu.dma_semaphore, #tpu.memory_space<semaphore_mem>>) src(%dma_wait3A_240 : memref<512x128xf32, #tpu.memory_space<hbm>>) dst(%dma_wait3A_235 : memref<128x128xf32, #tpu.memory_space<vmem>>)
    %dma_wait3A_241 = arith.constant 256 : i32
    %dma_wait3A_242 = arith.constant 0 : i32
    %dma_wait3A_243 = tpu.memref_slice %arg10[%dma_wait3A_241, %dma_wait3A_242] : memref<512x128xf32, #tpu.memory_space<vmem>> -> memref<128x128xf32, #tpu.memory_space<vmem>>
    %dma_wait3A_244 = arith.constant 256 : i32
    %dma_wait3A_245 = tpu.memref_slice %arg9[%dma_wait3A_244] : memref<512xi32, #tpu.memory_space<vmem>> -> memref<128xi32, #tpu.memory_space<vmem>>
    %dma_wait3A_246 = arith.constant 0 : i32
    %dma_wait3A_247 = arith.constant 0 : i32
    %dma_wait3A_248 = tpu.memref_slice %arg5[%dma_wait3A_246, %dma_wait3A_247] : memref<512x128xf32, #tpu.memory_space<hbm>> -> memref<512x128xf32, #tpu.memory_space<hbm>>
    tpu.wait_indirect_dma semaphore(%arg11 : memref<!tpu.dma_semaphore, #tpu.memory_space<semaphore_mem>>) src(%dma_wait3A_248 : memref<512x128xf32, #tpu.memory_space<hbm>>) dst(%dma_wait3A_243 : memref<128x128xf32, #tpu.memory_space<vmem>>)
    %dma_wait3A_249 = arith.constant 384 : i32
    %dma_wait3A_250 = arith.constant 0 : i32
    %dma_wait3A_251 = tpu.memref_slice %arg10[%dma_wait3A_249, %dma_wait3A_250] : memref<512x128xf32, #tpu.memory_space<vmem>> -> memref<128x128xf32, #tpu.memory_space<vmem>>
    %dma_wait3A_252 = arith.constant 384 : i32
    %dma_wait3A_253 = tpu.memref_slice %arg9[%dma_wait3A_252] : memref<512xi32, #tpu.memory_space<vmem>> -> memref<128xi32, #tpu.memory_space<vmem>>
    %dma_wait3A_254 = arith.constant 0 : i32
    %dma_wait3A_255 = arith.constant 0 : i32
    %dma_wait3A_256 = tpu.memref_slice %arg5[%dma_wait3A_254, %dma_wait3A_255] : memref<512x128xf32, #tpu.memory_space<hbm>> -> memref<512x128xf32, #tpu.memory_space<hbm>>
    tpu.wait_indirect_dma semaphore(%arg11 : memref<!tpu.dma_semaphore, #tpu.memory_space<semaphore_mem>>) src(%dma_wait3A_256 : memref<512x128xf32, #tpu.memory_space<hbm>>) dst(%dma_wait3A_251 : memref<128x128xf32, #tpu.memory_space<vmem>>)
    "tpu.region"() ({
      %run_scoped3A = tpu.sem_alloc : memref<!tpu.dma_semaphore, #tpu.memory_space<semaphore_mem>>
      %dma_start3A_257 = arith.constant 384 : i32
      %dma_start3A_258 = tpu.memref_slice %arg8[%mul3A_2, %dma_start3A_257] : memref<16384x512xf32, #tpu.memory_space<hbm>> -> memref<512x128xf32, #tpu.memory_space<hbm>>
      %dma_start3A_259 = arith.constant 384 : i32
      %dma_start3A_260 = tpu.memref_slice %arg8[%mul3A_2, %dma_start3A_259] : memref<16384x512xf32, #tpu.memory_space<hbm>> -> memref<512x128xf32, #tpu.memory_space<hbm>>
      tpu.enqueue_dma source(%arg10 : memref<512x128xf32, #tpu.memory_space<vmem>>) target(%dma_start3A_260 : memref<512x128xf32, #tpu.memory_space<hbm>>) target_semaphore(%run_scoped3A : memref<!tpu.dma_semaphore, #tpu.memory_space<semaphore_mem>>)
      %dma_wait3A_261 = arith.constant 384 : i32
      %dma_wait3A_262 = tpu.memref_slice %arg8[%mul3A_2, %dma_wait3A_261] : memref<16384x512xf32, #tpu.memory_space<hbm>> -> memref<512x128xf32, #tpu.memory_space<hbm>>
      %dma_wait3A_263 = arith.constant 384 : i32
      %dma_wait3A_264 = tpu.memref_slice %arg8[%mul3A_2, %dma_wait3A_263] : memref<16384x512xf32, #tpu.memory_space<hbm>> -> memref<512x128xf32, #tpu.memory_space<hbm>>
      tpu.wait_dma2 semaphore(%run_scoped3A : memref<!tpu.dma_semaphore, #tpu.memory_space<semaphore_mem>>) src(%arg10 : memref<512x128xf32, #tpu.memory_space<vmem>>) dst(%dma_wait3A_264 : memref<512x128xf32, #tpu.memory_space<hbm>>)
      tpu.yield
    }) : () -> ()
    return
  }
}

</mosaic_0001>

<sc_bundles>
// kernel: kernel.3.cloned.1.call-start
scs
__scs_entry_jumppad:
0x0: {  	(pc) =	sbr.rel $0x88, $3  }
0x1: {  	(tag) =	ssettag $0x0;
	lr =	simm.s32 $0x1  }
0x2: {  	[smem:$0x3F9D] =	sst lr;
	_ =	strace $0xD0000000  }
0x3: {  	_ = 	snop  }
0x4: {  	_ = 	snop  }
0x5: {  	_ = 	snop  }
0x6: {  	_ = 	snop  }
0x7: {  	_ = 	snop  }
__scs_overlays_trampoline_lowered:
0x8: {  	[smem:$0x3FAC] =	sst s0  }
0x9: {  	[smem:$0x3FAD] =	sst s1  }
0xa: {  	[smem:$0x3FAE] =	sst s2  }
0xb: {  	[smem:$0x3FAF] =	sst s3  }
0xc: {  	[smem:$0x3FB0] =	sst s4  }
0xd: {  	[smem:$0x3FB1] =	sst s5  }
0xe: {  	[smem:$0x3FB2] =	sst s6  }
0xf: {  	[smem:$0x3FB3] =	sst s7  }
0x10: {  	[smem:$0x3FB4] =	sst s8  }
0x11: {  	[smem:$0x3FB5] =	sst s9;
	s0 =	simm.s32 @!p0 $0x0  }
0x12: {  	s1 =	sld [smem:$0x3F9B];
	s0 =	simm.s32 @p0 $0x1  }
0x13: {  	[smem:$0x3FB6] =	sst s0;
	s0 =	simm.s32 @!p1 $0x0  }
0x14: {  	s2 =	sld [smem:$0x3F9A];
	s0 =	simm.s32 @p1 $0x1  }
0x15: {  	[smem:$0x3FB7] =	sst s0;
	s0 =	simm.s32 @!p2 $0x0  }
0x16: {  	s3 =	sld [smem:$0x3FDB];
	s0 =	simm.s32 @p2 $0x1  }
0x17: {  	s4 =	simm.s32 $0x1BF5;
	[smem:$0x3FB9] =	sst s0  }
0x18: {  	s0 =	sld [smem:$0x3F9C];
	_ =	swait.ge [sflag:s4], $0x0  }
0x19: {  	s7 =	sld [smem:$0x3F9D]  }
0x1a: {  	s8 =	sadd.s32 $0xFFFFE003, lr  }
0x1b: {  	s9 =	sadd.s32 $0xFFFFFEF7, lr;
	s5 =	simm.s32 $0xFFFFFFFF;
	p2 =	slt.u32 s8, $0xFFFFF086  }
0x1c: {  	p1 =	slt.u32 s9, $0xF7A;
	s5 =	simm.s32 @!p2 $0x0  }
0x1d: {  	s5 =	simm.s32 @p1 $0x1;
	p0 =	seq.s32 s7, s2  }
0x1e: {  	s7 =	smul.u32 @!p0 $0xF7A, s2;
	p2 =	seq.s32 @!p0 s5, $0x0  }
0x1f: {  	s9 =	smul.u32 $0xF7A, s1;
	s8 =	simm.s32 @!p0 $0x1BF5;
	p2 =	por !p2, p0  }
0x20: {  	[sflag:s8] =	ssyncset.s32 @!p0 $0xFFFFF086;
	s6 =	sadd.s32 @!p0 s3, s7;
	s7 =	simm.s32 @!p0 $0x108  }
0x21: {  	s3 =	sadd.s32 s3, s9;
	s6 =	sadd.s32 @!p0 $0x88, s6;
	s7 =	simm.s32 @p2 $0x1082  }
0x22: {  	[simem:s7], [sflag:s8] =	dma.local @!p0 [hbm:s6], $0xF7A  }
0x23: {  	s9 =	sor.u32 $0xD0000000, s2;
	s6 =	simm.s32 $0x108;
	_ =	swait.ge @!p0 [sflag:s8], $0x0  }
0x24: {  	s3 =	sadd.s32 $0x88, s3;
	s6 =	simm.s32 @!p1 $0x1082;
	[sflag:s4] =	ssyncset.s32 $0xFFFFF086  }
0x25: {  	[simem:s6], [sflag:s4] =	dma.local [hbm:s3], $0xF7A  }
0x26: {  	[smem:$0x3F9D] =	sst s1;
	(tag) =	ssettag s2;
	_ =	strace s9  }
0x27: {  	s1 =	sld [smem:$0x3FAD]  }
0x28: {  	s2 =	sld [smem:$0x3FAE]  }
0x29: {  	s4 =	sld [smem:$0x3FB0]  }
0x2a: {  	p0 =	seq.s32 s5, $0x0;
	s5 =	sld [smem:$0x3FB1]  }
0x2b: {  	s6 =	sld [smem:$0x3FB2]  }
0x2c: {  	s7 =	sld [smem:$0x3FB3]  }
0x2d: {  	s3 =	simm.s32 $0x108;
	s8 =	sld [smem:$0x3FB4]  }
0x2e: {  	s3 =	simm.s32 @!p0 $0x1082;
	s9 =	sld [smem:$0x3FB5]  }
0x2f: {  	lr =	sadd.s32 s0, s3;
	s0 =	sld [smem:$0x3FAC]  }
0x30: {  	s3 =	sld [smem:$0x3FAF]  }
0x31: {  	[smem:$0x3FB8] =	sst s10  }
0x32: {  	s10 =	sld [smem:$0x3FB6];
	_ =	sdelay $0x3  }
0x33: {  	p0 =	seq.s32 s10, $0x1;
	s10 =	sld [smem:$0x3FB8];
	_ =	sdelay $0x3  }
0x34: {  	[smem:$0x3FB8] =	sst s10  }
0x35: {  	s10 =	sld [smem:$0x3FB7];
	_ =	sdelay $0x3  }
0x36: {  	p1 =	seq.s32 s10, $0x1;
	s10 =	sld [smem:$0x3FB8];
	_ =	sdelay $0x3  }
0x37: {  	[smem:$0x3FB8] =	sst s10  }
0x38: {  	s10 =	sld [smem:$0x3FB9]  }
0x39: {  	_ = 	snop;
	(pc) =	sbr.ind lr, $3  }
0x3a: {  	_ = 	snop  }
0x3b: {  	_ = 	snop  }
0x3c: {  	p2 =	seq.s32 s10, $0x1;
	s10 =	sld [smem:$0x3FB8]  }
0x3d: {  	_ =	shalt  }
0x3e: {  	_ =	shalt  }
0x3f: {  	_ =	shalt  }
0x40: {  	_ =	shalt  }
0x41: {  	_ =	shalt  }
0x42: {  	_ =	shalt  }
0x43: {  	_ =	shalt  }
0x44: {  	_ =	shalt  }
0x45: {  	_ =	shalt  }
0x46: {  	_ =	shalt  }
0x47: {  	_ =	shalt  }
0x48: {  	_ =	shalt  }
0x49: {  	_ =	shalt  }
0x4a: {  	_ =	shalt  }
0x4b: {  	_ =	shalt  }
0x4c: {  	_ =	shalt  }
0x4d: {  	_ =	shalt  }
0x4e: {  	_ =	shalt  }
0x4f: {  	_ =	shalt  }
0x50: {  	_ =	shalt  }
0x51: {  	_ =	shalt  }
0x52: {  	_ =	shalt  }
0x53: {  	_ =	shalt  }
0x54: {  	_ =	shalt  }
0x55: {  	_ =	shalt  }
0x56: {  	_ =	shalt  }
0x57: {  	_ =	shalt  }
0x58: {  	_ =	shalt  }
0x59: {  	_ =	shalt  }
0x5a: {  	_ =	shalt  }
0x5b: {  	_ =	shalt  }
0x5c: {  	_ =	shalt  }
0x5d: {  	_ =	shalt  }
0x5e: {  	_ =	shalt  }
0x5f: {  	_ =	shalt  }
0x60: {  	_ =	shalt  }
0x61: {  	_ =	shalt  }
0x62: {  	_ =	shalt  }
0x63: {  	_ =	shalt  }
0x64: {  	_ =	shalt  }
0x65: {  	_ =	shalt  }
0x66: {  	_ =	shalt  }
0x67: {  	_ =	shalt  }
0x68: {  	_ =	shalt  }
0x69: {  	_ =	shalt  }
0x6a: {  	_ =	shalt  }
0x6b: {  	_ =	shalt  }
0x6c: {  	_ =	shalt  }
0x6d: {  	_ =	shalt  }
0x6e: {  	_ =	shalt  }
0x6f: {  	_ =	shalt  }
0x70: {  	_ =	shalt  }
0x71: {  	_ =	shalt  }
0x72: {  	_ =	shalt  }
0x73: {  	_ =	shalt  }
0x74: {  	_ =	shalt  }
0x75: {  	_ =	shalt  }
0x76: {  	_ =	shalt  }
0x77: {  	_ =	shalt  }
0x78: {  	_ =	shalt  }
0x79: {  	_ =	shalt  }
0x7a: {  	_ =	shalt  }
0x7b: {  	_ =	shalt  }
0x7c: {  	_ =	shalt  }
0x7d: {  	_ =	shalt  }
0x7e: {  	_ =	shalt  }
0x7f: {  	_ =	shalt  }
0x80: {  	_ =	shalt  }
0x81: {  	_ =	shalt  }
0x82: {  	_ =	shalt  }
0x83: {  	_ =	shalt  }
0x84: {  	_ =	shalt  }
0x85: {  	_ =	shalt  }
0x86: {  	_ =	shalt  }
0x87: {  	_ =	shalt  }
.Lfunc_end0:
.L_simem_size_0:
called_computation_lowered:
.L_overlay_start_0:
0x88: {  	s2 =	sld [smem:$0x3FD9]  }
0x89: {  	s3 =	sld [smem:$0x3FFE];
	_ =	sdelay $0x1  }
0x8a: {  	s1 =	srdreg.scid  }
0x8b: {  	s0 =	sand.u32 $0x1, s1  }
0x8c: {  	s17 =	sshll.u32 s0, $0xA;
	s2 =	sadd.s32 s3, s2  }
0x8d: {  	s2 =	sadd.s32 s2, s17  }
0x8e: {  	[smem:$0x3FC4] =	sst s2  }
0x8f: {  	_ = 	snop  }
0x90: {  	s2 =	sld [smem:$0x3FC7]  }
0x91: {  	s18 =	sld [smem:$0x3FC6]  }
0x92: {  	s4 =	sld [smem:$0x3FD0];
	(tm) =	ssettm $0x1  }
0x93: {  	s5 =	sld [smem:$0x3FFB];
	_ =	sdelay $0x3  }
0x94: {  	_ =	strace s5  }
0x95: {  	s5 =	sld [smem:$0x3FFC];
	_ =	sdelay $0x3  }
0x96: {  	_ =	strace s5  }
0x97: {  	s5 =	sld [smem:$0x3FFD];
	_ =	sdelay $0x3  }
0x98: {  	_ =	strace s5  }
0x99: {  	_ =	strace $0x8FFFFFFF  }
0x9a: {  	s19 =	sld [smem:$0x3FDB];
	_ =	sdelay $0x1  }
0x9b: {  	s6 =	simm.s32 $_scs_section_size  }
0x9c: {  	s7 =	simm.s32 $_size__tile_overlayer_lowered;
	s8 =	simm.s32 $_tile_overlayer_lowered  }
0x9d: {  	s22 =	simm.s32 $0x1BFF;
	s21 =	sshll.u32 s8, $0x1;
	s5 =	sadd.s32 s6, s19  }
0x9e: {  	s9 =	simm.s32 $0x0;
	s20 =	sshll.u32 s7, $0x1;
	s7 =	sadd.s32 s21, s5  }
0x9f: {  	[timem:s9], [sflag:s22] =	dma.local [hbm:s7], s20  }
0xa0: {  	_ =	swait.ge [sflag:s22], s20  }
0xa1: {  	s6 =	ssub.s32 $0x0, s20;
	[sflag:s22] =	ssyncset.done $0x0  }
0xa2: {  	[sflag:s22] =	ssyncadd.s32 s6;
	_ =	sdelay $0x1  }
0xa3: {  	s23 =	simm.s32 $0x1B8B  }
0xa4: {  	_ =	swait.ge [sflag:s23], $0x1  }
0xa5: {  	[sflag:s23] =	ssyncset.done $0x0  }
0xa6: {  	s25 =	simm.s32 $0x1B8E;
	s24 =	sld [smem:$0x3FFE];
	[sflag:s23] =	ssyncadd.s32 $0xFFFFFFFF  }
0xa7: {  	s26 =	simm.s32 $execute0_lowered;
	[smem:$0x3FD2] =	sst s25  }
0xa8: {  	s7 =	sshll.u32 s26, $0x1;
	_ =	strace $0x80000046;
	[dreg:$0x1] =	wrdreg $0xFFFFFFFF  }
0xa9: {  	s28 =	simm.s32 $_size_execute0_lowered;
	s5 =	sadd.s32 s5, s7;
	[dreg:$0x0] =	wrdreg $0x0  }
0xaa: {  	s7 =	sshll.u32 s28, $0x1;
	[dreg:$0x2] =	wrdreg s5  }
0xab: {  	[dreg:$0x3] =	wrdreg s7  }
0xac: {  	[dreg:$0x4] =	wrdreg $0xC0  }
0xad: {  	_ =	task [dreg:s9], $0x5FFFF  }
0xae: {  	[dreg:$0x1] =	wrdreg $0xFFFFFFFF  }
0xaf: {  	[dreg:$0x0] =	wrdreg $0x60  }
0xb0: {  	[dreg:$0x2] =	wrdreg s24  }
0xb1: {  	[dreg:$0x3] =	wrdreg s4  }
0xb2: {  	[dreg:$0x4] =	wrdreg s2  }
0xb3: {  	[dreg:$0x5] =	wrdreg s18  }
0xb4: {  	[dreg:$0x6] =	wrdreg $0x9  }
0xb5: {  	_ =	task.clear_ibuf [dreg:s9], $0x7FFFF;
	_ =	strace $0x90000046  }
0xb6: {  	s29 =	simm.s32 $0x9;
	_ =	strace $0x80000048  }
0xb7: {  	_ =	swait.ge [sflag:s29], $0x1  }
0xb8: {  	[sflag:s29] =	ssyncadd.s32 $0xFFFFFFFF  }
0xb9: {  	_ =	strace $0x90000048  }
0xba: {  	_ =	sfence  }
0xbb: {  	s30 =	sld [smem:$0x0];
	_ =	sdelay $0x2  }
0xbc: {  	s31 =	sshll.u32 s1, $0xD;
	s1 =	sshrl.u32 s1, $0x2  }
0xbd: {  	s3 =	sand.u32 $0x4000, s31;
	s1 =	sadd.s32 s1, s30  }
0xbe: {  	s0 =	sor.u32 s3, s0;
	s1 =	sshll.u32 s1, $0x11  }
0xbf: {  	s0 =	sor.u32 s1, s0  }
0xc0: {  	s0 =	sadd.s32 $0x8F2B, s0  }
0xc1: {  	[sflag:s0] =	ssyncadd.remote.s32 $0x1  }
0xc2: {  	_ =	sfence.sel $0xFFFF  }
0xc3: {  	[dreg:$0x0] =	wrdreg $0xFFFFFFFF;
	(pc) =	sbr.abs _section_cstart, $3  }
0xc4: {  	[dreg:$0x1] =	wrdreg $0xFFFFFFFF  }
0xc5: {  	_ =	task.clear_ibuf [dreg:s9], $0x2FFFF;
	_ =	strace $0x9FFFFFFF  }
0xc6: {  	(tm) =	ssettm $0x7FFFFFFF  }
0xc7: {  	_ =	shalt  }
tec
execute0_lowered:
.L_overlay_start_1:
0x0: {  	(tag) =	ssettag $0x1  }
0x1: {  	s22 =	rddreg [dreg:$0x0]  }
0x2: {  	s1 =	rddreg [dreg:$0x1];
	s2 =	srdreg.scid  }
0x3: {  	s4 =	rddreg [dreg:$0x2];
	s0 =	stileid.u32;
	s23 =	sand.u32 $0x1, s2  }
0x4: {  	s20 =	rddreg [dreg:$0x3];
	s5 =	sshll.u32 s0, $0xA;
	s6 =	sshll.u32 s23, $0x9  }
0x5: {  	s3 =	simm.s32 $0x0;
	s2 =	rddreg [dreg:$0x4];
	s15 =	sor.u32 s6, s5  }
0x6: {  	[smem:$0x7FF] =	sst s3;
	s21 =	sshrl.u32 s15, $0x3  }
0x7: {  	_ =	strace $0x80000047;
	s5 =	sadd.s32 s4, s21;
	s4 =	simm.s32 $0x2  }
0x8: {  	[tilespmem:s3], [sflag:$0x2] =	stream.linear.gather [hbm4b:s5+s3], $0x200, $0x38;
	[tilespmem:$0x10200] =	vst v63  }
0x9: {  	_ =	swait.ge [sflag:s4], $0x200  }
0xa: {  	s7 =	simm.s32 $0x80;
	[sflag:s4] =	ssyncset.done $0x0  }
0xb: {  	s8 =	simm.s32 $0x200;
	s6 =	sadd.s32 $0x187C00, s22;
	[sflag:s4] =	ssyncadd.s32 $0xFFFFFE00  }
0xc: {  	[tilespmem:s8], [sflag:$0x1] =	stream.indirect.gather [hbm4b:s6+s7], $0x80, s3, s7, $0xb8;
	[tilespmem:$0x10200] =	vst v63  }
0xd: {  	s9 =	simm.s32 $0x4200  }
0xe: {  	[tilespmem:s9], [sflag:$0x1] =	stream.indirect.gather [hbm4b:s6+s7], $0x80, s7, s7, $0xb8;
	[tilespmem:$0x10200] =	vst v63  }
0xf: {  	s10 =	simm.s32 $0x100;
	s11 =	simm.s32 $0x8200  }
0x10: {  	[tilespmem:s11], [sflag:$0x1] =	stream.indirect.gather [hbm4b:s6+s7], $0x80, s10, s7, $0xb8;
	[tilespmem:$0x10200] =	vst v63  }
0x11: {  	s12 =	simm.s32 $0x180;
	s13 =	simm.s32 $0xC200;
	s14 =	simm.s32 $0x1  }
0x12: {  	[tilespmem:s13], [sflag:$0x1] =	stream.indirect.gather [hbm4b:s6+s7], $0x80, s12, s7, $0xb8;
	[tilespmem:$0x10200] =	vst v63  }
0x13: {  	_ =	swait.ge [sflag:s14], $0x4000  }
0x14: {  	[sflag:s14] =	ssyncset.done $0x0  }
0x15: {  	[sflag:s14] =	ssyncadd.s32 $0xFFFFC000  }
0x16: {  	_ =	swait.ge [sflag:s14], $0x4000  }
0x17: {  	[sflag:s14] =	ssyncset.done $0x0  }
0x18: {  	[sflag:s14] =	ssyncadd.s32 $0xFFFFC000  }
0x19: {  	_ =	swait.ge [sflag:s14], $0x4000  }
0x1a: {  	[sflag:s14] =	ssyncset.done $0x0  }
0x1b: {  	[sflag:s14] =	ssyncadd.s32 $0xFFFFC000  }
0x1c: {  	s15 =	sshll.u32 s15, $0x6;
	_ =	swait.ge [sflag:s14], $0x4000  }
0x1d: {  	s16 =	simm.s32 $0x400;
	s24 =	sadd.s32 s15, s22;
	[sflag:s14] =	ssyncset.done $0x0  }
0x1e: {  	s17 =	simm.s32 $0x1000;
	s15 =	sadd.s32 $0x2C00, s24;
	[sflag:s14] =	ssyncadd.s32 $0xFFFFC000  }
0x1f: {  	[hbm4b:s15+s16] =	stream.strided.scatter [tilespmem:s8], [sflag:$0x2], $0x10000, s17, s16, $0x38;
	[tilespmem:$0x10200] =	vst v63  }
0x20: {  	_ =	swait.ge [sflag:s4], $0x10000  }
0x21: {  	[sflag:s4] =	ssyncset.done $0x0  }
0x22: {  	s18 =	sadd.s32 $0x30E600, s22;
	[sflag:s4] =	ssyncadd.s32 $0xFFFF0000  }
0x23: {  	[tilespmem:s8], [sflag:$0x1] =	stream.indirect.gather [hbm4b:s18+s7], $0x80, s3, s7, $0xb8;
	[tilespmem:$0x10200] =	vst v63  }
0x24: {  	_ = 	snop  }
0x25: {  	[tilespmem:s9], [sflag:$0x1] =	stream.indirect.gather [hbm4b:s18+s7], $0x80, s7, s7, $0xb8;
	[tilespmem:$0x10200] =	vst v63  }
0x26: {  	_ = 	snop  }
0x27: {  	[tilespmem:s11], [sflag:$0x1] =	stream.indirect.gather [hbm4b:s18+s7], $0x80, s10, s7, $0xb8;
	[tilespmem:$0x10200] =	vst v63  }
0x28: {  	_ = 	snop  }
0x29: {  	[tilespmem:s13], [sflag:$0x1] =	stream.indirect.gather [hbm4b:s18+s7], $0x80, s12, s7, $0xb8;
	[tilespmem:$0x10200] =	vst v63  }
0x2a: {  	_ =	swait.ge [sflag:s14], $0x4000  }
0x2b: {  	[sflag:s14] =	ssyncset.done $0x0  }
0x2c: {  	[sflag:s14] =	ssyncadd.s32 $0xFFFFC000  }
0x2d: {  	_ =	swait.ge [sflag:s14], $0x4000  }
0x2e: {  	[sflag:s14] =	ssyncset.done $0x0  }
0x2f: {  	[sflag:s14] =	ssyncadd.s32 $0xFFFFC000  }
0x30: {  	_ =	swait.ge [sflag:s14], $0x4000  }
0x31: {  	[sflag:s14] =	ssyncset.done $0x0  }
0x32: {  	[sflag:s14] =	ssyncadd.s32 $0xFFFFC000  }
0x33: {  	_ =	swait.ge [sflag:s14], $0x4000  }
0x34: {  	[sflag:s14] =	ssyncset.done $0x0  }
0x35: {  	s19 =	sadd.s32 $0x2C80, s24;
	[sflag:s14] =	ssyncadd.s32 $0xFFFFC000  }
0x36: {  	[hbm4b:s19+s16] =	stream.strided.scatter [tilespmem:s8], [sflag:$0x2], $0x10000, s17, s16, $0x38;
	[tilespmem:$0x10200] =	vst v63  }
0x37: {  	_ =	swait.ge [sflag:s4], $0x10000  }
0x38: {  	[sflag:s4] =	ssyncset.done $0x0  }
0x39: {  	s20 =	sadd.s32 s20, s21;
	[sflag:s4] =	ssyncadd.s32 $0xFFFF0000  }
0x3a: {  	[tilespmem:s3], [sflag:$0x2] =	stream.linear.gather [hbm4b:s20+s3], $0x200, $0x38;
	[tilespmem:$0x10200] =	vst v63  }
0x3b: {  	_ =	swait.ge [sflag:s4], $0x200  }
0x3c: {  	[sflag:s4] =	ssyncset.done $0x0  }
0x3d: {  	[sflag:s4] =	ssyncadd.s32 $0xFFFFFE00  }
0x3e: {  	[tilespmem:s8], [sflag:$0x1] =	stream.indirect.gather [hbm4b:s1+s7], $0x80, s3, s7, $0xb8;
	[tilespmem:$0x10200] =	vst v63  }
0x3f: {  	_ = 	snop  }
0x40: {  	[tilespmem:s9], [sflag:$0x1] =	stream.indirect.gather [hbm4b:s1+s7], $0x80, s7, s7, $0xb8;
	[tilespmem:$0x10200] =	vst v63  }
0x41: {  	_ = 	snop  }
0x42: {  	[tilespmem:s11], [sflag:$0x1] =	stream.indirect.gather [hbm4b:s1+s7], $0x80, s10, s7, $0xb8;
	[tilespmem:$0x10200] =	vst v63  }
0x43: {  	_ = 	snop  }
0x44: {  	[tilespmem:s13], [sflag:$0x1] =	stream.indirect.gather [hbm4b:s1+s7], $0x80, s12, s7, $0xb8;
	[tilespmem:$0x10200] =	vst v63  }
0x45: {  	_ =	swait.ge [sflag:s14], $0x4000  }
0x46: {  	[sflag:s14] =	ssyncset.done $0x0  }
0x47: {  	[sflag:s14] =	ssyncadd.s32 $0xFFFFC000  }
0x48: {  	_ =	swait.ge [sflag:s14], $0x4000  }
0x49: {  	[sflag:s14] =	ssyncset.done $0x0  }
0x4a: {  	[sflag:s14] =	ssyncadd.s32 $0xFFFFC000  }
0x4b: {  	_ =	swait.ge [sflag:s14], $0x4000  }
0x4c: {  	[sflag:s14] =	ssyncset.done $0x0  }
0x4d: {  	[sflag:s14] =	ssyncadd.s32 $0xFFFFC000  }
0x4e: {  	_ =	swait.ge [sflag:s14], $0x4000  }
0x4f: {  	[sflag:s14] =	ssyncset.done $0x0  }
0x50: {  	s21 =	sadd.s32 $0x2D00, s24;
	[sflag:s14] =	ssyncadd.s32 $0xFFFFC000  }
0x51: {  	[hbm4b:s21+s16] =	stream.strided.scatter [tilespmem:s8], [sflag:$0x2], $0x10000, s17, s16, $0x38;
	[tilespmem:$0x10200] =	vst v63  }
0x52: {  	_ =	swait.ge [sflag:s4], $0x10000  }
0x53: {  	[sflag:s4] =	ssyncset.done $0x0  }
0x54: {  	s22 =	sadd.s32 $0xC00, s22;
	[sflag:s4] =	ssyncadd.s32 $0xFFFF0000  }
0x55: {  	[tilespmem:s8], [sflag:$0x1] =	stream.indirect.gather [hbm4b:s22+s7], $0x80, s3, s7, $0xb8;
	[tilespmem:$0x10200] =	vst v63  }
0x56: {  	_ = 	snop  }
0x57: {  	[tilespmem:s9], [sflag:$0x1] =	stream.indirect.gather [hbm4b:s22+s7], $0x80, s7, s7, $0xb8;
	[tilespmem:$0x10200] =	vst v63  }
0x58: {  	_ = 	snop  }
0x59: {  	[tilespmem:s11], [sflag:$0x1] =	stream.indirect.gather [hbm4b:s22+s7], $0x80, s10, s7, $0xb8;
	[tilespmem:$0x10200] =	vst v63  }
0x5a: {  	_ = 	snop  }
0x5b: {  	[tilespmem:s13], [sflag:$0x1] =	stream.indirect.gather [hbm4b:s22+s7], $0x80, s12, s7, $0xb8;
	[tilespmem:$0x10200] =	vst v63  }
0x5c: {  	_ =	swait.ge [sflag:s14], $0x4000  }
0x5d: {  	[sflag:s14] =	ssyncset.done $0x0  }
0x5e: {  	[sflag:s14] =	ssyncadd.s32 $0xFFFFC000  }
0x5f: {  	_ =	swait.ge [sflag:s14], $0x4000  }
0x60: {  	[sflag:s14] =	ssyncset.done $0x0  }
0x61: {  	s23 =	ssub.s32 $0x2, s23;
	[sflag:s14] =	ssyncadd.s32 $0xFFFFC000  }
0x62: {  	s25 =	sshrl.u32 s23, $0x1;
	_ =	swait.ge [sflag:s14], $0x4000  }
0x63: {  	s25 =	ssub.s32 s23, s25;
	[sflag:s14] =	ssyncset.done $0x0  }
0x64: {  	s31 =	smax.u32 s25, $0x1;
	[sflag:s14] =	ssyncadd.s32 $0xFFFFC000  }
0x65: {  	p0 =	sne.s32 s31, $0x1;
	_ =	swait.ge [sflag:s14], $0x4000  }
.Ltmp0:
0x66: {  	[sflag:s14] =	ssyncset.done $0x0;
	(pc) =	sbr.rel @!p0 .LBB2_2-.Ltmp0, $4  }
0x67: {  	s23 =	sadd.s32 $0x2D80, s24;
	[sflag:s14] =	ssyncadd.s32 $0xFFFFC000  }
0x68: {  	[hbm4b:s23+s16] =	stream.strided.scatter [tilespmem:s8], [sflag:$0x2], $0x10000, s17, s16, $0x38;
	[tilespmem:$0x10200] =	vst v63  }
0x69: {  	_ =	swait.ge [sflag:s4], $0x10000  }
0x6a: {  	s24 =	sadd.s32 $0xFFFFFFFF, s31;
	[sflag:s4] =	ssyncset.done $0x0  }
.LBB2_1:
0x6b: {  	p0 =	sne.s32 s24, $0x1;
	s24 =	sadd.s32 $0xFFFFFFFF, s24;
	[sflag:s4] =	ssyncadd.s32 $0xFFFF0000  }
0x6c: {  	[tilespmem:s3], [sflag:$0x2] =	stream.linear.gather [hbm4b:s5+s3], $0x200, $0x38;
	[tilespmem:$0x10200] =	vst v63  }
0x6d: {  	_ =	swait.ge [sflag:s4], $0x200  }
0x6e: {  	[sflag:s4] =	ssyncset.done $0x0  }
0x6f: {  	[sflag:s4] =	ssyncadd.s32 $0xFFFFFE00  }
0x70: {  	[tilespmem:s8], [sflag:$0x1] =	stream.indirect.gather [hbm4b:s6+s7], $0x80, s3, s7, $0xb8;
	[tilespmem:$0x10200] =	vst v63  }
0x71: {  	_ = 	snop  }
0x72: {  	[tilespmem:s9], [sflag:$0x1] =	stream.indirect.gather [hbm4b:s6+s7], $0x80, s7, s7, $0xb8;
	[tilespmem:$0x10200] =	vst v63  }
0x73: {  	_ = 	snop  }
0x74: {  	[tilespmem:s11], [sflag:$0x1] =	stream.indirect.gather [hbm4b:s6+s7], $0x80, s10, s7, $0xb8;
	[tilespmem:$0x10200] =	vst v63  }
0x75: {  	_ = 	snop  }
0x76: {  	[tilespmem:s13], [sflag:$0x1] =	stream.indirect.gather [hbm4b:s6+s7], $0x80, s12, s7, $0xb8;
	[tilespmem:$0x10200] =	vst v63  }
0x77: {  	_ =	swait.ge [sflag:s14], $0x4000  }
0x78: {  	[sflag:s14] =	ssyncset.done $0x0  }
0x79: {  	[sflag:s14] =	ssyncadd.s32 $0xFFFFC000  }
0x7a: {  	_ =	swait.ge [sflag:s14], $0x4000  }
0x7b: {  	[sflag:s14] =	ssyncset.done $0x0  }
0x7c: {  	[sflag:s14] =	ssyncadd.s32 $0xFFFFC000  }
0x7d: {  	_ =	swait.ge [sflag:s14], $0x4000  }
0x7e: {  	[sflag:s14] =	ssyncset.done $0x0  }
0x7f: {  	[sflag:s14] =	ssyncadd.s32 $0xFFFFC000  }
0x80: {  	_ =	swait.ge [sflag:s14], $0x4000  }
0x81: {  	[sflag:s14] =	ssyncset.done $0x0  }
0x82: {  	[sflag:s14] =	ssyncadd.s32 $0xFFFFC000  }
0x83: {  	[hbm4b:s15+s16] =	stream.strided.scatter [tilespmem:s8], [sflag:$0x2], $0x10000, s17, s16, $0x38;
	[tilespmem:$0x10200] =	vst v63  }
0x84: {  	_ =	swait.ge [sflag:s4], $0x10000  }
0x85: {  	[sflag:s4] =	ssyncset.done $0x0  }
0x86: {  	[sflag:s4] =	ssyncadd.s32 $0xFFFF0000  }
0x87: {  	[tilespmem:s8], [sflag:$0x1] =	stream.indirect.gather [hbm4b:s18+s7], $0x80, s3, s7, $0xb8;
	[tilespmem:$0x10200] =	vst v63  }
0x88: {  	_ = 	snop  }
0x89: {  	[tilespmem:s9], [sflag:$0x1] =	stream.indirect.gather [hbm4b:s18+s7], $0x80, s7, s7, $0xb8;
	[tilespmem:$0x10200] =	vst v63  }
0x8a: {  	_ = 	snop  }
0x8b: {  	[tilespmem:s11], [sflag:$0x1] =	stream.indirect.gather [hbm4b:s18+s7], $0x80, s10, s7, $0xb8;
	[tilespmem:$0x10200] =	vst v63  }
0x8c: {  	_ = 	snop  }
0x8d: {  	[tilespmem:s13], [sflag:$0x1] =	stream.indirect.gather [hbm4b:s18+s7], $0x80, s12, s7, $0xb8;
	[tilespmem:$0x10200] =	vst v63  }
0x8e: {  	_ =	swait.ge [sflag:s14], $0x4000  }
0x8f: {  	[sflag:s14] =	ssyncset.done $0x0  }
0x90: {  	[sflag:s14] =	ssyncadd.s32 $0xFFFFC000  }
0x91: {  	_ =	swait.ge [sflag:s14], $0x4000  }
0x92: {  	[sflag:s14] =	ssyncset.done $0x0  }
0x93: {  	[sflag:s14] =	ssyncadd.s32 $0xFFFFC000  }
0x94: {  	_ =	swait.ge [sflag:s14], $0x4000  }
0x95: {  	[sflag:s14] =	ssyncset.done $0x0  }
0x96: {  	[sflag:s14] =	ssyncadd.s32 $0xFFFFC000  }
0x97: {  	_ =	swait.ge [sflag:s14], $0x4000  }
0x98: {  	[sflag:s14] =	ssyncset.done $0x0  }
0x99: {  	[sflag:s14] =	ssyncadd.s32 $0xFFFFC000  }
0x9a: {  	[hbm4b:s19+s16] =	stream.strided.scatter [tilespmem:s8], [sflag:$0x2], $0x10000, s17, s16, $0x38;
	[tilespmem:$0x10200] =	vst v63  }
0x9b: {  	_ =	swait.ge [sflag:s4], $0x10000  }
0x9c: {  	[sflag:s4] =	ssyncset.done $0x0  }
0x9d: {  	[sflag:s4] =	ssyncadd.s32 $0xFFFF0000  }
0x9e: {  	[tilespmem:s3], [sflag:$0x2] =	stream.linear.gather [hbm4b:s20+s3], $0x200, $0x38;
	[tilespmem:$0x10200] =	vst v63  }
0x9f: {  	_ =	swait.ge [sflag:s4], $0x200  }
0xa0: {  	[sflag:s4] =	ssyncset.done $0x0  }
0xa1: {  	[sflag:s4] =	ssyncadd.s32 $0xFFFFFE00  }
0xa2: {  	[tilespmem:s8], [sflag:$0x1] =	stream.indirect.gather [hbm4b:s1+s7], $0x80, s3, s7, $0xb8;
	[tilespmem:$0x10200] =	vst v63  }
0xa3: {  	_ = 	snop  }
0xa4: {  	[tilespmem:s9], [sflag:$0x1] =	stream.indirect.gather [hbm4b:s1+s7], $0x80, s7, s7, $0xb8;
	[tilespmem:$0x10200] =	vst v63  }
0xa5: {  	_ = 	snop  }
0xa6: {  	[tilespmem:s11], [sflag:$0x1] =	stream.indirect.gather [hbm4b:s1+s7], $0x80, s10, s7, $0xb8;
	[tilespmem:$0x10200] =	vst v63  }
0xa7: {  	_ = 	snop  }
0xa8: {  	[tilespmem:s13], [sflag:$0x1] =	stream.indirect.gather [hbm4b:s1+s7], $0x80, s12, s7, $0xb8;
	[tilespmem:$0x10200] =	vst v63  }
0xa9: {  	_ =	swait.ge [sflag:s14], $0x4000  }
0xaa: {  	[sflag:s14] =	ssyncset.done $0x0  }
0xab: {  	[sflag:s14] =	ssyncadd.s32 $0xFFFFC000  }
0xac: {  	_ =	swait.ge [sflag:s14], $0x4000  }
0xad: {  	[sflag:s14] =	ssyncset.done $0x0  }
0xae: {  	[sflag:s14] =	ssyncadd.s32 $0xFFFFC000  }
0xaf: {  	_ =	swait.ge [sflag:s14], $0x4000  }
0xb0: {  	[sflag:s14] =	ssyncset.done $0x0  }
0xb1: {  	[sflag:s14] =	ssyncadd.s32 $0xFFFFC000  }
0xb2: {  	_ =	swait.ge [sflag:s14], $0x4000  }
0xb3: {  	[sflag:s14] =	ssyncset.done $0x0  }
0xb4: {  	[sflag:s14] =	ssyncadd.s32 $0xFFFFC000  }
0xb5: {  	[hbm4b:s21+s16] =	stream.strided.scatter [tilespmem:s8], [sflag:$0x2], $0x10000, s17, s16, $0x38;
	[tilespmem:$0x10200] =	vst v63  }
0xb6: {  	_ =	swait.ge [sflag:s4], $0x10000  }
0xb7: {  	[sflag:s4] =	ssyncset.done $0x0  }
0xb8: {  	[sflag:s4] =	ssyncadd.s32 $0xFFFF0000  }
0xb9: {  	[tilespmem:s8], [sflag:$0x1] =	stream.indirect.gather [hbm4b:s22+s7], $0x80, s3, s7, $0xb8;
	[tilespmem:$0x10200] =	vst v63  }
0xba: {  	_ = 	snop  }
0xbb: {  	[tilespmem:s9], [sflag:$0x1] =	stream.indirect.gather [hbm4b:s22+s7], $0x80, s7, s7, $0xb8;
	[tilespmem:$0x10200] =	vst v63  }
0xbc: {  	_ = 	snop  }
0xbd: {  	[tilespmem:s11], [sflag:$0x1] =	stream.indirect.gather [hbm4b:s22+s7], $0x80, s10, s7, $0xb8;
	[tilespmem:$0x10200] =	vst v63  }
0xbe: {  	_ = 	snop  }
0xbf: {  	[tilespmem:s13], [sflag:$0x1] =	stream.indirect.gather [hbm4b:s22+s7], $0x80, s12, s7, $0xb8;
	[tilespmem:$0x10200] =	vst v63  }
0xc0: {  	_ =	swait.ge [sflag:s14], $0x4000  }
0xc1: {  	[sflag:s14] =	ssyncset.done $0x0  }
0xc2: {  	[sflag:s14] =	ssyncadd.s32 $0xFFFFC000  }
0xc3: {  	_ =	swait.ge [sflag:s14], $0x4000  }
0xc4: {  	[sflag:s14] =	ssyncset.done $0x0  }
0xc5: {  	[sflag:s14] =	ssyncadd.s32 $0xFFFFC000  }
0xc6: {  	_ =	swait.ge [sflag:s14], $0x4000  }
0xc7: {  	[sflag:s14] =	ssyncset.done $0x0  }
0xc8: {  	[sflag:s14] =	ssyncadd.s32 $0xFFFFC000  }
0xc9: {  	_ =	swait.ge [sflag:s14], $0x4000  }
.Ltmp1:
0xca: {  	[sflag:s14] =	ssyncset.done $0x0;
	(pc) =	sbr.rel @p0 .LBB2_1-.Ltmp1, $4  }
0xcb: {  	[sflag:s14] =	ssyncadd.s32 $0xFFFFC000  }
0xcc: {  	[hbm4b:s23+s16] =	stream.strided.scatter [tilespmem:s8], [sflag:$0x2], $0x10000, s17, s16, $0x38;
	[tilespmem:$0x10200] =	vst v63  }
0xcd: {  	_ =	swait.ge [sflag:s4], $0x10000  }
0xce: {  	[sflag:s4] =	ssyncset.done $0x0  }
.LBB2_2:
0xcf: {  	[sflag:s4] =	ssyncadd.s32 $0xFFFF0000  }
0xd0: {  	_ =	sfence.sel $0x180000  }
0xd1: {  	[bflag:$0x0] =	sbarrier.arrive $0xFFFF  }
0xd2: {  	p0 =	sne.s32 s0, $0x0;
	_ =	strace $0x90000047  }
0xd3: {  	s0 =	sadd.s32 @!p0 $0x100000, s2;
	[bflag:$0x2] =	sbarrier.arrive $0xFFFF  }
0xd4: {  	[sflag:s0] =	ssyncadd.tile.s32 @!p0 $0x1;
	_ =	shalt  }
.Lfunc_end2:
_tile_overlayer_lowered:
.L_overlay_start_2:
0xd5: {  	(tag) =	ssettag $0x2  }
0xd6: {  	s0 =	rddreg [dreg:$0x0];
	s2 =	stileid.u32  }
0xd7: {  	s1 =	rddreg [dreg:$0x1];
	p0 =	sne.s32 s2, $0x0  }
0xd8: {  	s3 =	rddreg [dreg:$0x2];
	[bflag:$0x3] =	sbarrier.arrive $0xFFFF;
	s2 =	simm.s32 @!p0 $0x1C02  }
0xd9: {  	[timem:s3], [sflag:s2] =	dma.local @!p0 [hbm:s0], s1  }
0xda: {  	s0 =	simm.s32 @!p0 $0x2  }
0xdb: {  	_ =	swait.ge @!p0 [sflag:s0], s1  }
0xdc: {  	s1 =	ssub.s32 @!p0 $0x0, s1;
	[sflag:s0] =	ssyncset.done @!p0 $0x0  }
0xdd: {  	[sflag:s0] =	ssyncadd.s32 @!p0 s1  }
0xde: {  	[bflag:$0x3] =	sbarrier.arrive $0xFFFF  }
0xdf: {  	_ =	shalt  }

</sc_bundles>
